<compile_context>
chip_gen: v7x
topology: tpu7x:2x2x1
jax: 0.10.2.dev20260603
libtpu: 0.0.44.dev20260713+nightly
codegen_flags: <defaults>
</compile_context>

<pallas_src>
import functools

import jax
import jax.numpy as jnp
from jax import lax
from jax.experimental import pallas as pl
from jax.experimental.pallas import tpu as pltpu
from jax.experimental.pallas import tpu_sc as plsc

N_NODES = 100000
IN_FEATS = 512
NUM_SEGMENTS = 1024

_NC = 2
_NS = 16
_NW = _NC * _NS
_PER_TILE = 3128
_LAST_COUNT = N_NODES - (_NW - 1) * _PER_TILE
_BUF = _PER_TILE + 24
_NVEC = (_PER_TILE + 15) // 16
_SENTINEL = 1 << 30

_R = 5000
_NB = N_NODES // _R
_W = 64
_EPADN = NUM_SEGMENTS + 1 + _W + 8
_BPAD = NUM_SEGMENTS + _W


def _seg_ends_body(batch_hbm, out_hbm, buf, eloc, stage, merged, shared):
    cid = lax.axis_index("c")
    sid = lax.axis_index("s")
    wid = sid * _NC + cid
    start = wid * _PER_TILE
    count = jnp.where(wid == _NW - 1, _LAST_COUNT, _PER_TILE)

    @pl.when(wid < _NW - 1)
    def _():
        pltpu.sync_copy(batch_hbm.at[pl.ds(start, _PER_TILE + 8)],
                        buf.at[pl.ds(0, _PER_TILE + 8)])

    @pl.when(wid == _NW - 1)
    def _():
        pltpu.sync_copy(batch_hbm.at[pl.ds(start, _LAST_COUNT)],
                        buf.at[pl.ds(0, _LAST_COUNT)])
        base = (_LAST_COUNT // 16) * 16
        v = buf[pl.ds(base, 16)]
        pos = lax.iota(jnp.int32, 16) + base
        buf[pl.ds(base, 16)] = jnp.where(pos == _LAST_COUNT, _SENTINEL, v)

    def _zero(k, _):
        eloc[pl.ds(k * 16, 16)] = jnp.zeros((16,), jnp.int32)
        return 0
    lax.fori_loop(0, NUM_SEGMENTS // 16, _zero, 0)

    def _scan(j, _):
        a = buf[pl.ds(j * 16, 16)]
        b = buf[pl.ds(j * 16 + 1, 16)]
        lane = lax.iota(jnp.int32, 16)
        valid = (lane + j * 16) < count
        m = jnp.logical_and(a != b, valid)
        val = start + j * 16 + lane + 1
        plsc.store_scatter(eloc, [a], val, mask=m)
        return 0
    lax.fori_loop(0, _NVEC, _scan, 0)

    pltpu.sync_copy(eloc, shared.at[sid])
    plsc.subcore_barrier()

    @pl.when(sid == 0)
    def _merge():
        pltpu.sync_copy(shared, stage)

        def _mx(k, _):
            v = stage[0, pl.ds(k * 16, 16)]
            for t in range(1, _NS):
                v = jnp.maximum(v, stage[t, pl.ds(k * 16, 16)])
            merged[pl.ds(k * 16, 16)] = v
            return 0
        lax.fori_loop(0, NUM_SEGMENTS // 16, _mx, 0)

        def _cm(k, c):
            v = jnp.maximum(merged[pl.ds(k * 16, 16)], c)
            s = plsc.cummax(v)
            merged[pl.ds(k * 16, 16)] = s
            last = lax.reduce_max(s, axes=(0,))
            return jnp.broadcast_to(last, (16,))
        lax.fori_loop(0, NUM_SEGMENTS // 16, _cm,
                      jnp.zeros((16,), jnp.int32), unroll=False)

        pltpu.sync_copy(merged, out_hbm.at[cid])


def _seg_ends(batch):
    kfn = functools.partial(
        pl.kernel,
        out_type=jax.ShapeDtypeStruct((_NC, NUM_SEGMENTS), jnp.int32),
        mesh=plsc.VectorSubcoreMesh(core_axis_name="c", subcore_axis_name="s"),
        compiler_params=pltpu.CompilerParams(needs_layout_passes=False),
        scratch_types=[
            pltpu.VMEM((_BUF,), jnp.int32),
            pltpu.VMEM((NUM_SEGMENTS,), jnp.int32),
            pltpu.VMEM((_NS, NUM_SEGMENTS), jnp.int32),
            pltpu.VMEM((NUM_SEGMENTS,), jnp.int32),
            pltpu.VMEM_SHARED((_NS, NUM_SEGMENTS), jnp.int32),
        ],
    )(_seg_ends_body)
    return kfn(batch)


def _main_body(eps_ref, evm_ref, x_ref, w_ref, b_ref, out_ref, bbuf):
    i = pl.program_id(0)

    @pl.when(i == 0)
    def _init():
        bbuf[...] = jnp.zeros_like(bbuf)

    xb = x_ref[...]
    z = lax.dot_general(w_ref[...], xb, (((0,), (1,)), ((), ())),
                        preferred_element_type=jnp.float32)
    wgt = jax.nn.sigmoid(z + b_ref[0, 0])

    blk_start = i * _R
    blk_end = (i + 1) * _R

    def _eps(u):
        return jnp.maximum(eps_ref[0, u], eps_ref[1, u])

    def _bs(thresh, strict):
        def body(_, lohi):
            lo, hi = lohi
            mid = (lo + hi) // 2
            v = _eps(mid)
            pred = jnp.where(strict, v <= thresh, v < thresh)
            return jnp.where(pred, mid + 1, lo), jnp.where(pred, hi, mid)
        lo, _ = lax.fori_loop(0, 11, body,
                              (jnp.int32(0), jnp.int32(NUM_SEGMENTS + 1)))
        return lo

    seg_a = ((_bs(blk_start, True) - 1) // 8) * 8
    seg_c = _bs(blk_end, False)
    ntrips = (seg_c - seg_a + _W - 1) // _W

    jglob = lax.broadcasted_iota(jnp.int32, (_W, _R), 1) + blk_start

    def _window(t, _):
        s0 = pl.multiple_of(seg_a + t * _W, 8)
        evc = jnp.maximum(evm_ref[0, pl.ds(s0, _W + 8), :],
                          evm_ref[1, pl.ds(s0, _W + 8), :])
        lo0 = evc[0:_W, :]
        hi0 = evc[1:_W + 1, :]
        ind = jnp.logical_and(jglob >= lo0, jglob < hi0)
        oh = jnp.where(ind, wgt, 0.0)
        bbuf[pl.ds(s0, _W), :] += jnp.dot(oh, xb,
                                          preferred_element_type=jnp.float32)
        return 0
    lax.fori_loop(0, ntrips, _window, 0)

    @pl.when(i == _NB - 1)
    def _final():
        out_ref[...] = bbuf[0:NUM_SEGMENTS, :]


def _main(x, W, b, e2):
    zero = jnp.zeros((_NC, 1), jnp.int32)
    eps = jnp.concatenate([zero, e2], axis=1)
    evm = jnp.pad(eps, ((0, 0), (0, _EPADN - (NUM_SEGMENTS + 1))),
                  constant_values=N_NODES)
    evm = evm.reshape(_NC, _EPADN, 1)
    return pl.pallas_call(
        _main_body,
        grid=(_NB,),
        in_specs=[
            pl.BlockSpec(memory_space=pltpu.SMEM),
            pl.BlockSpec((_NC, _EPADN, 1), lambda i: (0, 0, 0)),
            pl.BlockSpec((_R, IN_FEATS), lambda i: (i, 0)),
            pl.BlockSpec((IN_FEATS, 1), lambda i: (0, 0)),
            pl.BlockSpec(memory_space=pltpu.SMEM),
        ],
        out_specs=pl.BlockSpec((NUM_SEGMENTS, IN_FEATS), lambda i: (0, 0)),
        out_shape=jax.ShapeDtypeStruct((NUM_SEGMENTS, IN_FEATS), jnp.float32),
        scratch_shapes=[
            pltpu.VMEM((_BPAD, IN_FEATS), jnp.float32),
        ],
    )(eps, evm, x, W, b.reshape(1, 1))


def kernel(x, batch, W, b):
    e2 = _seg_ends(batch)
    return _main(x, W, b, e2)

# --- scband reference (transcript-rebuilt; emitter-appended) ---
"""Pipeline reference for scband-dgl-weight-and-sum-8108898255300 (READ-ONLY COPY).

The authoritative reference and input builder live on the scoring server;
editing this copy changes nothing except your own understanding.
"""

import jax, jax.numpy as jnp
import numpy as np

N_NODES = 100000
IN_FEATS = 512
NUM_SEGMENTS = 1024


def setup_inputs(seed: int = 0) -> dict:
    key = jax.random.key(seed)
    k1, k2, k3, k4 = jax.random.split(key, 4)
    x = jax.random.normal(k1, (N_NODES, IN_FEATS), dtype=jnp.float32)
    batch = jnp.sort(jax.random.randint(k2, (N_NODES,), 0, NUM_SEGMENTS, dtype=jnp.int32))
    # learned params of atom_weighting = Linear(in_feats, 1) + Sigmoid
    W = jax.random.normal(k3, (IN_FEATS, 1), dtype=jnp.float32) * (1.0 / np.sqrt(IN_FEATS))
    b = jax.random.normal(k4, (1,), dtype=jnp.float32) * 0.01
    return {"x": x, "batch": batch, "W": W, "b": b}


def reference(x, batch, W, b):
    # atom_weighting: sigmoid(Linear(x))
    w = jax.nn.sigmoid(x @ W + b)  # [N, 1]
    xw = x * w                      # [N, d]
    # scatter_add over dim 0 by graph id -> per-graph weighted sum
    x_sum = jax.ops.segment_sum(xw, batch, num_segments=NUM_SEGMENTS)
    return x_sum

if __name__ == "__main__":
    import jax
    _d = setup_inputs()
    print(jax.jit(kernel)(*tuple(_d.values())))

</pallas_src>

<mosaic_0001>
#map = affine_map<(d0, d1) -> (0)>
#map1 = affine_map<(d0, d1) -> (0, 0)>
module attributes {stable_mosaic.version = 14 : i64} {
  func.func @_seg_ends_body(%arg0: i32, %arg1: i32, %arg2: memref<100000xi32, #tpu.memory_space<hbm>>, %arg3: memref<2x1024xi32, #tpu.memory_space<hbm>>, %arg4: memref<3152xi32, #tpu.memory_space<vmem>>, %arg5: memref<1024xi32, #tpu.memory_space<vmem>>, %arg6: memref<16x1024xi32, #tpu.memory_space<vmem>>, %arg7: memref<1024xi32, #tpu.memory_space<vmem>>, %arg8: memref<16x1024xi32, #tpu.memory_space<vmem_shared>>) attributes {dimension_semantics = [#tpu.dimension_semantics<core_parallel>, #tpu.dimension_semantics<subcore_parallel>], iteration_bounds = array<i64: 2, 16>, scalar_prefetch = 0 : i64, scratch_operands = 5 : i64, tpu.core_type = #tpu.core_type<sc_vector_subcore>, window_params = [{transform_indices = #map}, {transform_indices = #map1}]} {
    %mul3A = arith.constant 2 : i32
    %mul3A_0 = arith.muli %arg1, %mul3A : i32
    %add3A = arith.addi %mul3A_0, %arg0 : i32
    %mul3A_1 = arith.constant 3128 : i32
    %mul3A_2 = arith.muli %add3A, %mul3A_1 : i32
    %eq3A = arith.constant 31 : i32
    %eq3A_3 = arith.cmpi eq, %add3A, %eq3A : i32
    %jit3A = arith.constant 3032 : i32
    %jit3A_4 = arith.constant 3128 : i32
    %select_n3A = arith.select %eq3A_3, %jit3A, %jit3A_4 : i32
    %lt3A = arith.constant 31 : i32
    %lt3A_5 = arith.cmpi slt, %add3A, %lt3A : i32
    %convert_element_type3A = arith.extui %lt3A_5 : i1 to i32
    %cond3A = arith.constant 0 : i32
    %cond3A_6 = arith.cmpi ne, %convert_element_type3A, %cond3A : i32
    scf.if %cond3A_6 {
      "tpu.region"() ({
        %run_scoped3A = tpu.sem_alloc : memref<!tpu.dma_semaphore, #tpu.memory_space<semaphore_mem>>
        %dma_start3A = arith.constant 0 : i32
        %dma_start3A_30 = tpu.memref_slice %arg4[%dma_start3A] : memref<3152xi32, #tpu.memory_space<vmem>> -> memref<3136xi32, #tpu.memory_space<vmem>>
        %dma_start3A_31 = tpu.memref_slice %arg2[%mul3A_2] : memref<100000xi32, #tpu.memory_space<hbm>> -> memref<3136xi32, #tpu.memory_space<hbm>>
        %dma_start3A_32 = arith.constant 0 : i32
        %dma_start3A_33 = tpu.memref_slice %arg4[%dma_start3A_32] : memref<3152xi32, #tpu.memory_space<vmem>> -> memref<3136xi32, #tpu.memory_space<vmem>>
        %dma_start3A_34 = tpu.memref_slice %arg2[%mul3A_2] : memref<100000xi32, #tpu.memory_space<hbm>> -> memref<3136xi32, #tpu.memory_space<hbm>>
        tpu.enqueue_dma source(%dma_start3A_34 : memref<3136xi32, #tpu.memory_space<hbm>>) target(%dma_start3A_33 : memref<3136xi32, #tpu.memory_space<vmem>>) target_semaphore(%run_scoped3A : memref<!tpu.dma_semaphore, #tpu.memory_space<semaphore_mem>>)
        %dma_wait3A = arith.constant 0 : i32
        %dma_wait3A_35 = tpu.memref_slice %arg4[%dma_wait3A] : memref<3152xi32, #tpu.memory_space<vmem>> -> memref<3136xi32, #tpu.memory_space<vmem>>
        %dma_wait3A_36 = tpu.memref_slice %arg2[%mul3A_2] : memref<100000xi32, #tpu.memory_space<hbm>> -> memref<3136xi32, #tpu.memory_space<hbm>>
        %dma_wait3A_37 = arith.constant 0 : i32
        %dma_wait3A_38 = tpu.memref_slice %arg4[%dma_wait3A_37] : memref<3152xi32, #tpu.memory_space<vmem>> -> memref<3136xi32, #tpu.memory_space<vmem>>
        %dma_wait3A_39 = tpu.memref_slice %arg2[%mul3A_2] : memref<100000xi32, #tpu.memory_space<hbm>> -> memref<3136xi32, #tpu.memory_space<hbm>>
        tpu.wait_dma2 semaphore(%run_scoped3A : memref<!tpu.dma_semaphore, #tpu.memory_space<semaphore_mem>>) src(%dma_wait3A_39 : memref<3136xi32, #tpu.memory_space<hbm>>) dst(%dma_wait3A_38 : memref<3136xi32, #tpu.memory_space<vmem>>)
        tpu.yield
      }) : () -> ()
    } else {
    }
    %eq3A_7 = arith.constant 31 : i32
    %eq3A_8 = arith.cmpi eq, %add3A, %eq3A_7 : i32
    %convert_element_type3A_9 = arith.extui %eq3A_8 : i1 to i32
    %cond3A_10 = arith.constant 0 : i32
    %cond3A_11 = arith.cmpi ne, %convert_element_type3A_9, %cond3A_10 : i32
    scf.if %cond3A_11 {
      "tpu.region"() ({
        %run_scoped3A = tpu.sem_alloc : memref<!tpu.dma_semaphore, #tpu.memory_space<semaphore_mem>>
        %dma_start3A = arith.constant 0 : i32
        %dma_start3A_40 = tpu.memref_slice %arg4[%dma_start3A] : memref<3152xi32, #tpu.memory_space<vmem>> -> memref<3032xi32, #tpu.memory_space<vmem>>
        %dma_start3A_41 = tpu.memref_slice %arg2[%mul3A_2] : memref<100000xi32, #tpu.memory_space<hbm>> -> memref<3032xi32, #tpu.memory_space<hbm>>
        %dma_start3A_42 = arith.constant 0 : i32
        %dma_start3A_43 = tpu.memref_slice %arg4[%dma_start3A_42] : memref<3152xi32, #tpu.memory_space<vmem>> -> memref<3032xi32, #tpu.memory_space<vmem>>
        %dma_start3A_44 = tpu.memref_slice %arg2[%mul3A_2] : memref<100000xi32, #tpu.memory_space<hbm>> -> memref<3032xi32, #tpu.memory_space<hbm>>
        tpu.enqueue_dma source(%dma_start3A_44 : memref<3032xi32, #tpu.memory_space<hbm>>) target(%dma_start3A_43 : memref<3032xi32, #tpu.memory_space<vmem>>) target_semaphore(%run_scoped3A : memref<!tpu.dma_semaphore, #tpu.memory_space<semaphore_mem>>)
        %dma_wait3A = arith.constant 0 : i32
        %dma_wait3A_45 = tpu.memref_slice %arg4[%dma_wait3A] : memref<3152xi32, #tpu.memory_space<vmem>> -> memref<3032xi32, #tpu.memory_space<vmem>>
        %dma_wait3A_46 = tpu.memref_slice %arg2[%mul3A_2] : memref<100000xi32, #tpu.memory_space<hbm>> -> memref<3032xi32, #tpu.memory_space<hbm>>
        %dma_wait3A_47 = arith.constant 0 : i32
        %dma_wait3A_48 = tpu.memref_slice %arg4[%dma_wait3A_47] : memref<3152xi32, #tpu.memory_space<vmem>> -> memref<3032xi32, #tpu.memory_space<vmem>>
        %dma_wait3A_49 = tpu.memref_slice %arg2[%mul3A_2] : memref<100000xi32, #tpu.memory_space<hbm>> -> memref<3032xi32, #tpu.memory_space<hbm>>
        tpu.wait_dma2 semaphore(%run_scoped3A : memref<!tpu.dma_semaphore, #tpu.memory_space<semaphore_mem>>) src(%dma_wait3A_49 : memref<3032xi32, #tpu.memory_space<hbm>>) dst(%dma_wait3A_48 : memref<3032xi32, #tpu.memory_space<vmem>>)
        tpu.yield
      }) : () -> ()
      %get3A = arith.constant 3024 : index
      %get3A_30 = tpu.vector_load %arg4[%get3A] {strides = array<i32>} : memref<3152xi32, #tpu.memory_space<vmem>>, vector<16xi32>,
      %iota3A = tpu.iota {dimensions = array<i32: 0>} : vector<16xi32>
      %add3A_31 = arith.constant 3024 : i32
      %add3A_32 = vector.broadcast %add3A_31 : i32 to vector<16xi32>
      %add3A_33 = arith.addi %iota3A, %add3A_32 : vector<16xi32>
      %eq3A_34 = arith.constant 3032 : i32
      %eq3A_35 = vector.broadcast %eq3A_34 : i32 to vector<16xi32>
      %eq3A_36 = arith.cmpi eq, %add3A_33, %eq3A_35 : vector<16xi32>
      %jit3A_37 = arith.constant 1073741824 : i32
      %broadcast_in_dim3A = vector.broadcast %jit3A_37 : i32 to vector<16xi32>
      %select_n3A_38 = arith.select %eq3A_36, %broadcast_in_dim3A, %get3A_30 : vector<16xi1>, vector<16xi32>
      %swap3A = arith.constant 3024 : index
      %swap3A_39 = tpu.vector_load %arg4[%swap3A] {strides = array<i32>} : memref<3152xi32, #tpu.memory_space<vmem>>, vector<16xi32>,
      tpu.vector_store %arg4[%swap3A], %select_n3A_38 {strides = array<i32>} : memref<3152xi32, #tpu.memory_space<vmem>>, vector<16xi32>,
    } else {
    }
    %scan3A = arith.constant 0 : i32
    %scan3A_12 = arith.constant 0 : i32
    %scan3A_13 = arith.constant 64 : i32
    %scan3A_14 = arith.addi %scan3A_12, %scan3A_13 : i32
    %scan3A_15 = arith.constant 1 : i32
    %scan3A_16 = scf.for %scan3A_30 = %scan3A_12 to %scan3A_14 step %scan3A_15 iter_args(%scan3A_31 = %scan3A) -> (i32)  : i32 {
      %broadcast_in_dim3A = arith.constant 0 : i32
      %broadcast_in_dim3A_32 = vector.broadcast %broadcast_in_dim3A : i32 to vector<16xi32>
      %mul3A_33 = arith.constant 16 : i32
      %mul3A_34 = arith.muli %scan3A_30, %mul3A_33 : i32
      %swap3A = arith.index_cast %mul3A_34 : i32 to index
      %swap3A_35 = tpu.vector_load %arg5[%swap3A] {strides = array<i32>} : memref<1024xi32, #tpu.memory_space<vmem>>, vector<16xi32>,
      tpu.vector_store %arg5[%swap3A], %broadcast_in_dim3A_32 {strides = array<i32>} : memref<1024xi32, #tpu.memory_space<vmem>>, vector<16xi32>,
      %scan3A_36 = arith.constant 0 : i32
      scf.yield %scan3A_36 : i32
    }
    %scan3A_17 = arith.constant 64 : i32
    %scan3A_18 = arith.constant 0 : i32
    %scan3A_19 = arith.constant 0 : i32
    %scan3A_20 = arith.constant 196 : i32
    %scan3A_21 = arith.addi %scan3A_19, %scan3A_20 : i32
    %scan3A_22 = arith.constant 1 : i32
    %scan3A_23 = scf.for %scan3A_30 = %scan3A_19 to %scan3A_21 step %scan3A_22 iter_args(%scan3A_31 = %scan3A_18) -> (i32)  : i32 {
      %mul3A_32 = arith.constant 16 : i32
      %mul3A_33 = arith.muli %scan3A_30, %mul3A_32 : i32
      %get3A = arith.index_cast %mul3A_33 : i32 to index
      %get3A_34 = tpu.vector_load %arg4[%get3A] {strides = array<i32>} : memref<3152xi32, #tpu.memory_space<vmem>>, vector<16xi32>,
      %mul3A_35 = arith.constant 16 : i32
      %mul3A_36 = arith.muli %scan3A_30, %mul3A_35 : i32
      %add3A_37 = arith.constant 1 : i32
      %add3A_38 = arith.addi %mul3A_36, %add3A_37 : i32
      %get3A_39 = arith.index_cast %add3A_38 : i32 to index
      %get3A_40 = tpu.vector_load %arg4[%get3A_39] {strides = array<i32>} : memref<3152xi32, #tpu.memory_space<vmem>>, vector<16xi32>,
      %iota3A = tpu.iota {dimensions = array<i32: 0>} : vector<16xi32>
      %mul3A_41 = arith.constant 16 : i32
      %mul3A_42 = arith.muli %scan3A_30, %mul3A_41 : i32
      %add3A_43 = vector.broadcast %mul3A_42 : i32 to vector<16xi32>
      %add3A_44 = arith.addi %iota3A, %add3A_43 : vector<16xi32>
      %lt3A_45 = vector.broadcast %select_n3A : i32 to vector<16xi32>
      %lt3A_46 = arith.cmpi slt, %add3A_44, %lt3A_45 : vector<16xi32>
      %ne3A = arith.cmpi ne, %get3A_34, %get3A_40 : vector<16xi32>
      %and3A = arith.andi %ne3A, %lt3A_46 : vector<16xi1>
      %mul3A_47 = arith.constant 16 : i32
      %mul3A_48 = arith.muli %scan3A_30, %mul3A_47 : i32
      %add3A_49 = arith.addi %mul3A_2, %mul3A_48 : i32
      %add3A_50 = vector.broadcast %add3A_49 : i32 to vector<16xi32>
      %add3A_51 = arith.addi %add3A_50, %iota3A : vector<16xi32>
      %add3A_52 = arith.constant 1 : i32
      %add3A_53 = vector.broadcast %add3A_52 : i32 to vector<16xi32>
      %add3A_54 = arith.addi %add3A_51, %add3A_53 : vector<16xi32>
      tpu.vector_store_idx %arg5[%get3A_34], %add3A_54 masked %and3A : memref<1024xi32, #tpu.memory_space<vmem>>[vector<16xi32>], vector<16xi32>, vector<16xi1>
      %scan3A_55 = arith.constant 0 : i32
      scf.yield %scan3A_55 : i32
    }
    %scan3A_24 = arith.constant 196 : i32
    "tpu.region"() ({
      %run_scoped3A = tpu.sem_alloc : memref<!tpu.dma_semaphore, #tpu.memory_space<semaphore_mem>>
      %dma_start3A = arith.constant 0 : i32
      %dma_start3A_30 = tpu.memref_slice %arg8[%arg1, %dma_start3A] : memref<16x1024xi32, #tpu.memory_space<vmem_shared>> -> memref<1x1024xi32, #tpu.memory_space<vmem_shared>>
      %dma_start3A_31 = tpu.memref_squeeze %dma_start3A_30 : memref<1x1024xi32, #tpu.memory_space<vmem_shared>> -> memref<1024xi32, #tpu.memory_space<vmem_shared>>
      %dma_start3A_32 = arith.constant 0 : i32
      %dma_start3A_33 = tpu.memref_slice %arg8[%arg1, %dma_start3A_32] : memref<16x1024xi32, #tpu.memory_space<vmem_shared>> -> memref<1x1024xi32, #tpu.memory_space<vmem_shared>>
      %dma_start3A_34 = tpu.memref_squeeze %dma_start3A_33 : memref<1x1024xi32, #tpu.memory_space<vmem_shared>> -> memref<1024xi32, #tpu.memory_space<vmem_shared>>
      tpu.enqueue_dma source(%arg5 : memref<1024xi32, #tpu.memory_space<vmem>>) target(%dma_start3A_34 : memref<1024xi32, #tpu.memory_space<vmem_shared>>) target_semaphore(%run_scoped3A : memref<!tpu.dma_semaphore, #tpu.memory_space<semaphore_mem>>)
      %dma_wait3A = arith.constant 0 : i32
      %dma_wait3A_35 = tpu.memref_slice %arg8[%arg1, %dma_wait3A] : memref<16x1024xi32, #tpu.memory_space<vmem_shared>> -> memref<1x1024xi32, #tpu.memory_space<vmem_shared>>
      %dma_wait3A_36 = tpu.memref_squeeze %dma_wait3A_35 : memref<1x1024xi32, #tpu.memory_space<vmem_shared>> -> memref<1024xi32, #tpu.memory_space<vmem_shared>>
      %dma_wait3A_37 = arith.constant 0 : i32
      %dma_wait3A_38 = tpu.memref_slice %arg8[%arg1, %dma_wait3A_37] : memref<16x1024xi32, #tpu.memory_space<vmem_shared>> -> memref<1x1024xi32, #tpu.memory_space<vmem_shared>>
      %dma_wait3A_39 = tpu.memref_squeeze %dma_wait3A_38 : memref<1x1024xi32, #tpu.memory_space<vmem_shared>> -> memref<1024xi32, #tpu.memory_space<vmem_shared>>
      tpu.wait_dma2 semaphore(%run_scoped3A : memref<!tpu.dma_semaphore, #tpu.memory_space<semaphore_mem>>) src(%arg5 : memref<1024xi32, #tpu.memory_space<vmem>>) dst(%dma_wait3A_39 : memref<1024xi32, #tpu.memory_space<vmem_shared>>)
      tpu.yield
    }) : () -> ()
    %barrier3A = arith.constant 0 : index
    tpu.barrier barrier_id(%barrier3A)
    %eq3A_25 = arith.constant 0 : i32
    %eq3A_26 = arith.cmpi eq, %arg1, %eq3A_25 : i32
    %convert_element_type3A_27 = arith.extui %eq3A_26 : i1 to i32
    %cond3A_28 = arith.constant 0 : i32
    %cond3A_29 = arith.cmpi ne, %convert_element_type3A_27, %cond3A_28 : i32
    scf.if %cond3A_29 {
      "tpu.region"() ({
        %run_scoped3A = tpu.sem_alloc : memref<!tpu.dma_semaphore, #tpu.memory_space<semaphore_mem>>
        tpu.enqueue_dma source(%arg8 : memref<16x1024xi32, #tpu.memory_space<vmem_shared>>) target(%arg6 : memref<16x1024xi32, #tpu.memory_space<vmem>>) target_semaphore(%run_scoped3A : memref<!tpu.dma_semaphore, #tpu.memory_space<semaphore_mem>>)
        tpu.wait_dma2 semaphore(%run_scoped3A : memref<!tpu.dma_semaphore, #tpu.memory_space<semaphore_mem>>) src(%arg8 : memref<16x1024xi32, #tpu.memory_space<vmem_shared>>) dst(%arg6 : memref<16x1024xi32, #tpu.memory_space<vmem>>)
        tpu.yield
      }) : () -> ()
      %scan3A_30 = arith.constant 0 : i32
      %scan3A_31 = arith.constant 0 : i32
      %scan3A_32 = arith.constant 64 : i32
      %scan3A_33 = arith.addi %scan3A_31, %scan3A_32 : i32
      %scan3A_34 = arith.constant 1 : i32
      %scan3A_35 = scf.for %scan3A_44 = %scan3A_31 to %scan3A_33 step %scan3A_34 iter_args(%scan3A_45 = %scan3A_30) -> (i32)  : i32 {
        %mul3A_46 = arith.constant 16 : i32
        %mul3A_47 = arith.muli %scan3A_44, %mul3A_46 : i32
        %get3A = arith.constant 0 : i32
        %get3A_48 = arith.index_cast %get3A : i32 to index
        %get3A_49 = arith.index_cast %mul3A_47 : i32 to index
        %get3A_50 = tpu.vector_load %arg6[%get3A_48, %get3A_49] {strides = array<i32>} : memref<16x1024xi32, #tpu.memory_space<vmem>>, vector<16xi32>,
        %mul3A_51 = arith.constant 16 : i32
        %mul3A_52 = arith.muli %scan3A_44, %mul3A_51 : i32
        %get3A_53 = arith.constant 1 : i32
        %get3A_54 = arith.index_cast %get3A_53 : i32 to index
        %get3A_55 = arith.index_cast %mul3A_52 : i32 to index
        %get3A_56 = tpu.vector_load %arg6[%get3A_54, %get3A_55] {strides = array<i32>} : memref<16x1024xi32, #tpu.memory_space<vmem>>, vector<16xi32>,
        %max3A = arith.maxsi %get3A_50, %get3A_56 : vector<16xi32>
        %mul3A_57 = arith.constant 16 : i32
        %mul3A_58 = arith.muli %scan3A_44, %mul3A_57 : i32
        %get3A_59 = arith.constant 2 : i32
        %get3A_60 = arith.index_cast %get3A_59 : i32 to index
        %get3A_61 = arith.index_cast %mul3A_58 : i32 to index
        %get3A_62 = tpu.vector_load %arg6[%get3A_60, %get3A_61] {strides = array<i32>} : memref<16x1024xi32, #tpu.memory_space<vmem>>, vector<16xi32>,
        %max3A_63 = arith.maxsi %max3A, %get3A_62 : vector<16xi32>
        %mul3A_64 = arith.constant 16 : i32
        %mul3A_65 = arith.muli %scan3A_44, %mul3A_64 : i32
        %get3A_66 = arith.constant 3 : i32
        %get3A_67 = arith.index_cast %get3A_66 : i32 to index
        %get3A_68 = arith.index_cast %mul3A_65 : i32 to index
        %get3A_69 = tpu.vector_load %arg6[%get3A_67, %get3A_68] {strides = array<i32>} : memref<16x1024xi32, #tpu.memory_space<vmem>>, vector<16xi32>,
        %max3A_70 = arith.maxsi %max3A_63, %get3A_69 : vector<16xi32>
        %mul3A_71 = arith.constant 16 : i32
        %mul3A_72 = arith.muli %scan3A_44, %mul3A_71 : i32
        %get3A_73 = arith.constant 4 : i32
        %get3A_74 = arith.index_cast %get3A_73 : i32 to index
        %get3A_75 = arith.index_cast %mul3A_72 : i32 to index
        %get3A_76 = tpu.vector_load %arg6[%get3A_74, %get3A_75] {strides = array<i32>} : memref<16x1024xi32, #tpu.memory_space<vmem>>, vector<16xi32>,
        %max3A_77 = arith.maxsi %max3A_70, %get3A_76 : vector<16xi32>
        %mul3A_78 = arith.constant 16 : i32
        %mul3A_79 = arith.muli %scan3A_44, %mul3A_78 : i32
        %get3A_80 = arith.constant 5 : i32
        %get3A_81 = arith.index_cast %get3A_80 : i32 to index
        %get3A_82 = arith.index_cast %mul3A_79 : i32 to index
        %get3A_83 = tpu.vector_load %arg6[%get3A_81, %get3A_82] {strides = array<i32>} : memref<16x1024xi32, #tpu.memory_space<vmem>>, vector<16xi32>,
        %max3A_84 = arith.maxsi %max3A_77, %get3A_83 : vector<16xi32>
        %mul3A_85 = arith.constant 16 : i32
        %mul3A_86 = arith.muli %scan3A_44, %mul3A_85 : i32
        %get3A_87 = arith.constant 6 : i32
        %get3A_88 = arith.index_cast %get3A_87 : i32 to index
        %get3A_89 = arith.index_cast %mul3A_86 : i32 to index
        %get3A_90 = tpu.vector_load %arg6[%get3A_88, %get3A_89] {strides = array<i32>} : memref<16x1024xi32, #tpu.memory_space<vmem>>, vector<16xi32>,
        %max3A_91 = arith.maxsi %max3A_84, %get3A_90 : vector<16xi32>
        %mul3A_92 = arith.constant 16 : i32
        %mul3A_93 = arith.muli %scan3A_44, %mul3A_92 : i32
        %get3A_94 = arith.constant 7 : i32
        %get3A_95 = arith.index_cast %get3A_94 : i32 to index
        %get3A_96 = arith.index_cast %mul3A_93 : i32 to index
        %get3A_97 = tpu.vector_load %arg6[%get3A_95, %get3A_96] {strides = array<i32>} : memref<16x1024xi32, #tpu.memory_space<vmem>>, vector<16xi32>,
        %max3A_98 = arith.maxsi %max3A_91, %get3A_97 : vector<16xi32>
        %mul3A_99 = arith.constant 16 : i32
        %mul3A_100 = arith.muli %scan3A_44, %mul3A_99 : i32
        %get3A_101 = arith.constant 8 : i32
        %get3A_102 = arith.index_cast %get3A_101 : i32 to index
        %get3A_103 = arith.index_cast %mul3A_100 : i32 to index
        %get3A_104 = tpu.vector_load %arg6[%get3A_102, %get3A_103] {strides = array<i32>} : memref<16x1024xi32, #tpu.memory_space<vmem>>, vector<16xi32>,
        %max3A_105 = arith.maxsi %max3A_98, %get3A_104 : vector<16xi32>
        %mul3A_106 = arith.constant 16 : i32
        %mul3A_107 = arith.muli %scan3A_44, %mul3A_106 : i32
        %get3A_108 = arith.constant 9 : i32
        %get3A_109 = arith.index_cast %get3A_108 : i32 to index
        %get3A_110 = arith.index_cast %mul3A_107 : i32 to index
        %get3A_111 = tpu.vector_load %arg6[%get3A_109, %get3A_110] {strides = array<i32>} : memref<16x1024xi32, #tpu.memory_space<vmem>>, vector<16xi32>,
        %max3A_112 = arith.maxsi %max3A_105, %get3A_111 : vector<16xi32>
        %mul3A_113 = arith.constant 16 : i32
        %mul3A_114 = arith.muli %scan3A_44, %mul3A_113 : i32
        %get3A_115 = arith.constant 10 : i32
        %get3A_116 = arith.index_cast %get3A_115 : i32 to index
        %get3A_117 = arith.index_cast %mul3A_114 : i32 to index
        %get3A_118 = tpu.vector_load %arg6[%get3A_116, %get3A_117] {strides = array<i32>} : memref<16x1024xi32, #tpu.memory_space<vmem>>, vector<16xi32>,
        %max3A_119 = arith.maxsi %max3A_112, %get3A_118 : vector<16xi32>
        %mul3A_120 = arith.constant 16 : i32
        %mul3A_121 = arith.muli %scan3A_44, %mul3A_120 : i32
        %get3A_122 = arith.constant 11 : i32
        %get3A_123 = arith.index_cast %get3A_122 : i32 to index
        %get3A_124 = arith.index_cast %mul3A_121 : i32 to index
        %get3A_125 = tpu.vector_load %arg6[%get3A_123, %get3A_124] {strides = array<i32>} : memref<16x1024xi32, #tpu.memory_space<vmem>>, vector<16xi32>,
        %max3A_126 = arith.maxsi %max3A_119, %get3A_125 : vector<16xi32>
        %mul3A_127 = arith.constant 16 : i32
        %mul3A_128 = arith.muli %scan3A_44, %mul3A_127 : i32
        %get3A_129 = arith.constant 12 : i32
        %get3A_130 = arith.index_cast %get3A_129 : i32 to index
        %get3A_131 = arith.index_cast %mul3A_128 : i32 to index
        %get3A_132 = tpu.vector_load %arg6[%get3A_130, %get3A_131] {strides = array<i32>} : memref<16x1024xi32, #tpu.memory_space<vmem>>, vector<16xi32>,
        %max3A_133 = arith.maxsi %max3A_126, %get3A_132 : vector<16xi32>
        %mul3A_134 = arith.constant 16 : i32
        %mul3A_135 = arith.muli %scan3A_44, %mul3A_134 : i32
        %get3A_136 = arith.constant 13 : i32
        %get3A_137 = arith.index_cast %get3A_136 : i32 to index
        %get3A_138 = arith.index_cast %mul3A_135 : i32 to index
        %get3A_139 = tpu.vector_load %arg6[%get3A_137, %get3A_138] {strides = array<i32>} : memref<16x1024xi32, #tpu.memory_space<vmem>>, vector<16xi32>,
        %max3A_140 = arith.maxsi %max3A_133, %get3A_139 : vector<16xi32>
        %mul3A_141 = arith.constant 16 : i32
        %mul3A_142 = arith.muli %scan3A_44, %mul3A_141 : i32
        %get3A_143 = arith.constant 14 : i32
        %get3A_144 = arith.index_cast %get3A_143 : i32 to index
        %get3A_145 = arith.index_cast %mul3A_142 : i32 to index
        %get3A_146 = tpu.vector_load %arg6[%get3A_144, %get3A_145] {strides = array<i32>} : memref<16x1024xi32, #tpu.memory_space<vmem>>, vector<16xi32>,
        %max3A_147 = arith.maxsi %max3A_140, %get3A_146 : vector<16xi32>
        %mul3A_148 = arith.constant 16 : i32
        %mul3A_149 = arith.muli %scan3A_44, %mul3A_148 : i32
        %get3A_150 = arith.constant 15 : i32
        %get3A_151 = arith.index_cast %get3A_150 : i32 to index
        %get3A_152 = arith.index_cast %mul3A_149 : i32 to index
        %get3A_153 = tpu.vector_load %arg6[%get3A_151, %get3A_152] {strides = array<i32>} : memref<16x1024xi32, #tpu.memory_space<vmem>>, vector<16xi32>,
        %max3A_154 = arith.maxsi %max3A_147, %get3A_153 : vector<16xi32>
        %mul3A_155 = arith.constant 16 : i32
        %mul3A_156 = arith.muli %scan3A_44, %mul3A_155 : i32
        %swap3A = arith.index_cast %mul3A_156 : i32 to index
        %swap3A_157 = tpu.vector_load %arg7[%swap3A] {strides = array<i32>} : memref<1024xi32, #tpu.memory_space<vmem>>, vector<16xi32>,
        tpu.vector_store %arg7[%swap3A], %max3A_154 {strides = array<i32>} : memref<1024xi32, #tpu.memory_space<vmem>>, vector<16xi32>,
        %scan3A_158 = arith.constant 0 : i32
        scf.yield %scan3A_158 : i32
      }
      %scan3A_36 = arith.constant 64 : i32
      %broadcast_in_dim3A = arith.constant 0 : i32
      %broadcast_in_dim3A_37 = vector.broadcast %broadcast_in_dim3A : i32 to vector<16xi32>
      %scan3A_38 = arith.constant 0 : i32
      %scan3A_39 = arith.constant 64 : i32
      %scan3A_40 = arith.addi %scan3A_38, %scan3A_39 : i32
      %scan3A_41 = arith.constant 1 : i32
      %scan3A_42 = scf.for %scan3A_44 = %scan3A_38 to %scan3A_40 step %scan3A_41 iter_args(%scan3A_45 = %broadcast_in_dim3A_37) -> (vector<16xi32>)  : i32 {
        %mul3A_46 = arith.constant 16 : i32
        %mul3A_47 = arith.muli %scan3A_44, %mul3A_46 : i32
        %get3A = arith.index_cast %mul3A_47 : i32 to index
        %get3A_48 = tpu.vector_load %arg7[%get3A] {strides = array<i32>} : memref<1024xi32, #tpu.memory_space<vmem>>, vector<16xi32>,
        %max3A = arith.maxsi %get3A_48, %scan3A_45 : vector<16xi32>
        %broadcast_in_dim3A_49 = arith.constant true
        %broadcast_in_dim3A_50 = vector.broadcast %broadcast_in_dim3A_49 : i1 to vector<16xi1>
        %masked_cummax3A = arith.constant -2147483648 : i32
        %masked_cummax3A_51 = vector.broadcast %masked_cummax3A : i32 to vector<16xi32>
        %masked_cummax3A_52 = arith.xori %max3A, %masked_cummax3A_51 : vector<16xi32>
        %masked_cummax3A_53 = tpu.scan <max>, %masked_cummax3A_52 masked %broadcast_in_dim3A_50 : vector<16xi32>, vector<16xi1> -> vector<16xi32>
        %masked_cummax3A_54 = arith.xori %masked_cummax3A_53, %masked_cummax3A_51 : vector<16xi32>
        %mul3A_55 = arith.constant 16 : i32
        %mul3A_56 = arith.muli %scan3A_44, %mul3A_55 : i32
        %swap3A = arith.index_cast %mul3A_56 : i32 to index
        %swap3A_57 = tpu.vector_load %arg7[%swap3A] {strides = array<i32>} : memref<1024xi32, #tpu.memory_space<vmem>>, vector<16xi32>,
        tpu.vector_store %arg7[%swap3A], %masked_cummax3A_54 {strides = array<i32>} : memref<1024xi32, #tpu.memory_space<vmem>>, vector<16xi32>,
        %reduce_max3A = arith.constant true
        %reduce_max3A_58 = vector.broadcast %reduce_max3A : i1 to vector<16xi1>
        %reduce_max3A_59 = arith.constant -2147483648 : i32
        %reduce_max3A_60 = vector.broadcast %reduce_max3A_59 : i32 to vector<16xi32>
        %reduce_max3A_61 = arith.xori %masked_cummax3A_54, %reduce_max3A_60 : vector<16xi32>
        %reduce_max3A_62 = tpu.scan <max>, %reduce_max3A_61 masked %reduce_max3A_58 : vector<16xi32>, vector<16xi1> -> vector<16xi32>
        %reduce_max3A_63 = arith.xori %reduce_max3A_62, %reduce_max3A_60 : vector<16xi32>
        %reduce_max3A_64 = vector.extract %reduce_max3A_63[15] : i32 from vector<16xi32>
        %broadcast_in_dim3A_65 = vector.broadcast %reduce_max3A_64 : i32 to vector<16xi32>
        scf.yield %broadcast_in_dim3A_65 : vector<16xi32>
      }
      %scan3A_43 = arith.constant 64 : i32
      "tpu.region"() ({
        %run_scoped3A = tpu.sem_alloc : memref<!tpu.dma_semaphore, #tpu.memory_space<semaphore_mem>>
        %dma_start3A = arith.constant 0 : i32
        %dma_start3A_44 = tpu.memref_slice %arg3[%arg0, %dma_start3A] : memref<2x1024xi32, #tpu.memory_space<hbm>> -> memref<1x1024xi32, #tpu.memory_space<hbm>>
        %dma_start3A_45 = tpu.memref_squeeze %dma_start3A_44 : memref<1x1024xi32, #tpu.memory_space<hbm>> -> memref<1024xi32, #tpu.memory_space<hbm>>
        %dma_start3A_46 = arith.constant 0 : i32
        %dma_start3A_47 = tpu.memref_slice %arg3[%arg0, %dma_start3A_46] : memref<2x1024xi32, #tpu.memory_space<hbm>> -> memref<1x1024xi32, #tpu.memory_space<hbm>>
        %dma_start3A_48 = tpu.memref_squeeze %dma_start3A_47 : memref<1x1024xi32, #tpu.memory_space<hbm>> -> memref<1024xi32, #tpu.memory_space<hbm>>
        tpu.enqueue_dma source(%arg7 : memref<1024xi32, #tpu.memory_space<vmem>>) target(%dma_start3A_48 : memref<1024xi32, #tpu.memory_space<hbm>>) target_semaphore(%run_scoped3A : memref<!tpu.dma_semaphore, #tpu.memory_space<semaphore_mem>>)
        %dma_wait3A = arith.constant 0 : i32
        %dma_wait3A_49 = tpu.memref_slice %arg3[%arg0, %dma_wait3A] : memref<2x1024xi32, #tpu.memory_space<hbm>> -> memref<1x1024xi32, #tpu.memory_space<hbm>>
        %dma_wait3A_50 = tpu.memref_squeeze %dma_wait3A_49 : memref<1x1024xi32, #tpu.memory_space<hbm>> -> memref<1024xi32, #tpu.memory_space<hbm>>
        %dma_wait3A_51 = arith.constant 0 : i32
        %dma_wait3A_52 = tpu.memref_slice %arg3[%arg0, %dma_wait3A_51] : memref<2x1024xi32, #tpu.memory_space<hbm>> -> memref<1x1024xi32, #tpu.memory_space<hbm>>
        %dma_wait3A_53 = tpu.memref_squeeze %dma_wait3A_52 : memref<1x1024xi32, #tpu.memory_space<hbm>> -> memref<1024xi32, #tpu.memory_space<hbm>>
        tpu.wait_dma2 semaphore(%run_scoped3A : memref<!tpu.dma_semaphore, #tpu.memory_space<semaphore_mem>>) src(%arg7 : memref<1024xi32, #tpu.memory_space<vmem>>) dst(%dma_wait3A_53 : memref<1024xi32, #tpu.memory_space<hbm>>)
        tpu.yield
      }) : () -> ()
    } else {
    }
    return
  }
}

module attributes {stable_mosaic.version = 14 : i64} {
  func.func @_main_body(%arg0: i32, %arg1: memref<2x1025xi32, #tpu.memory_space<smem>>, %arg2: memref<2x1097x1xi32, #tpu.memory_space<vmem>>, %arg3: memref<5000x512xf32, #tpu.memory_space<vmem>>, %arg4: memref<512x1xf32, #tpu.memory_space<vmem>>, %arg5: memref<1x1xf32, #tpu.memory_space<smem>>, %arg6: memref<1024x512xf32, #tpu.memory_space<vmem>>, %arg7: memref<1088x512xf32, #tpu.memory_space<vmem>>) attributes {dimension_semantics = [#tpu.dimension_semantics<arbitrary>], iteration_bounds = array<i64: 20>, scalar_prefetch = 0 : i64, scratch_operands = 1 : i64, tpu.core_type = #tpu.core_type<tc>, window_params = [{transform_indices = @transform_0, window_bounds = array<i64: 2, 1025>}, {pipeline_mode = #tpu.pipeline_mode<synchronous>, transform_indices = @transform_1, window_bounds = array<i64: 2, 1097, 1>}, {transform_indices = @transform_2, window_bounds = array<i64: 5000, 512>}, {pipeline_mode = #tpu.pipeline_mode<synchronous>, transform_indices = @transform_3, window_bounds = array<i64: 512, 1>}, {transform_indices = @transform_4, window_bounds = array<i64: 1, 1>}, {pipeline_mode = #tpu.pipeline_mode<synchronous>, transform_indices = @transform_5, window_bounds = array<i64: 1024, 512>}]} {
    %eq3A = arith.constant 0 : i32
    %eq3A_0 = arith.cmpi eq, %arg0, %eq3A : i32
    %convert_element_type3A = arith.extui %eq3A_0 : i1 to i32
    %cond3A = arith.constant 0 : i32
    %cond3A_1 = arith.cmpi ne, %convert_element_type3A, %cond3A : i32
    scf.if %cond3A_1 {
      %broadcast_in_dim3A = arith.constant 0.000000e+00 : f32
      %broadcast_in_dim3A_102 = vector.broadcast %broadcast_in_dim3A : f32 to vector<1088x512xf32>
      %swap3A = arith.constant 0 : index
      %swap3A_103 = arith.constant 0 : index
      %swap3A_104 = vector.load %arg7[%swap3A, %swap3A_103] : memref<1088x512xf32, #tpu.memory_space<vmem>>, vector<1088x512xf32>
      tpu.vector_store %arg7[%swap3A, %swap3A_103], %broadcast_in_dim3A_102 {strides = array<i32>} : memref<1088x512xf32, #tpu.memory_space<vmem>>, vector<1088x512xf32>,
    } else {
    }
    %get3A = arith.constant 0 : index
    %get3A_2 = arith.constant 0 : index
    %get3A_3 = vector.load %arg3[%get3A, %get3A_2] : memref<5000x512xf32, #tpu.memory_space<vmem>>, vector<5000x512xf32>
    %get3A_4 = arith.constant 0 : index
    %get3A_5 = arith.constant 0 : index
    %get3A_6 = vector.load %arg4[%get3A_4, %get3A_5] : memref<512x1xf32, #tpu.memory_space<vmem>>, vector<512x1xf32>
    %dot_general3A = arith.constant dense<0.000000e+00> : vector<1x5000xf32>
    %dot_general3A_7 = tpu.matmul %get3A_6, %get3A_3, %dot_general3A {dimension_numbers = #tpu.dot_dimension_numbers<[0], [1], [1], [0], [0, 1, 1, 0], [], []>, transpose_lhs_hint = false} : vector<512x1xf32>, vector<5000x512xf32>, vector<1x5000xf32> -> vector<1x5000xf32>
    %get3A_8 = arith.constant 0 : index
    %get3A_9 = arith.constant 0 : index
    %get3A_10 = memref.load %arg5[%get3A_8, %get3A_9] : memref<1x1xf32, #tpu.memory_space<smem>>
    %add3A = vector.broadcast %get3A_10 : f32 to vector<1x5000xf32>
    %add3A_11 = arith.addf %dot_general3A_7, %add3A : vector<1x5000xf32>
    %logistic3A = arith.negf %add3A_11 : vector<1x5000xf32>
    %logistic3A_12 = math.exp %logistic3A : vector<1x5000xf32>
    %logistic3A_13 = arith.constant 1.000000e+00 : f32
    %logistic3A_14 = vector.broadcast %logistic3A_13 : f32 to vector<1x5000xf32>
    %logistic3A_15 = arith.addf %logistic3A_14, %logistic3A_12 : vector<1x5000xf32>
    %logistic3A_16 = arith.divf %logistic3A_14, %logistic3A_15 : vector<1x5000xf32>
    %mul3A = arith.constant 5000 : i32
    %mul3A_17 = arith.muli %arg0, %mul3A : i32
    %add3A_18 = arith.constant 1 : i32
    %add3A_19 = arith.addi %arg0, %add3A_18 : i32
    %mul3A_20 = arith.constant 5000 : i32
    %mul3A_21 = arith.muli %add3A_19, %mul3A_20 : i32
    %scan3A = arith.constant 0 : i32
    %scan3A_22 = arith.constant 1025 : i32
    %scan3A_23 = arith.constant 0 : i32
    %scan3A_24 = arith.constant 11 : i32
    %scan3A_25 = arith.addi %scan3A_23, %scan3A_24 : i32
    %scan3A_26 = arith.constant 1 : i32
    %scan3A_27:2 = scf.for %scan3A_102 = %scan3A_23 to %scan3A_25 step %scan3A_26 iter_args(%scan3A_103 = %scan3A, %scan3A_104 = %scan3A_22) -> (i32, i32)  : i32 {
      %add3A_105 = arith.addi %scan3A_103, %scan3A_104 : i32
      %jit3A_106 = arith.constant 2 : i32
      %div3A_107 = arith.divsi %add3A_105, %jit3A_106 : i32
      %sign3A_108 = arith.constant 0 : i32
      %sign3A_109 = arith.cmpi sgt, %add3A_105, %sign3A_108 : i32
      %sign3A_110 = arith.extui %sign3A_109 : i1 to i32
      %sign3A_111 = arith.constant 0 : i32
      %sign3A_112 = arith.cmpi slt, %add3A_105, %sign3A_111 : i32
      %sign3A_113 = arith.extui %sign3A_112 : i1 to i32
      %sign3A_114 = arith.subi %sign3A_110, %sign3A_113 : i32
      %sign3A_115 = arith.constant 0 : i32
      %sign3A_116 = arith.cmpi sgt, %jit3A_106, %sign3A_115 : i32
      %sign3A_117 = arith.extui %sign3A_116 : i1 to i32
      %sign3A_118 = arith.constant 0 : i32
      %sign3A_119 = arith.cmpi slt, %jit3A_106, %sign3A_118 : i32
      %sign3A_120 = arith.extui %sign3A_119 : i1 to i32
      %sign3A_121 = arith.subi %sign3A_117, %sign3A_120 : i32
      %ne3A_122 = arith.cmpi ne, %sign3A_114, %sign3A_121 : i32
      %rem3A_123 = arith.remsi %add3A_105, %jit3A_106 : i32
      %ne3A_124 = arith.constant 0 : i32
      %ne3A_125 = arith.cmpi ne, %rem3A_123, %ne3A_124 : i32
      %and3A_126 = arith.andi %ne3A_122, %ne3A_125 : i1
      %sub3A_127 = arith.constant 1 : i32
      %sub3A_128 = arith.subi %div3A_107, %sub3A_127 : i32
      %select_n3A_129 = arith.select %and3A_126, %sub3A_128, %div3A_107 : i32
      %get3A_130 = arith.constant 0 : index
      %get3A_131 = arith.index_cast %select_n3A_129 : i32 to index
      %get3A_132 = memref.load %arg1[%get3A_130, %get3A_131] : memref<2x1025xi32, #tpu.memory_space<smem>>
      %get3A_133 = arith.constant 1 : index
      %get3A_134 = arith.index_cast %select_n3A_129 : i32 to index
      %get3A_135 = memref.load %arg1[%get3A_133, %get3A_134] : memref<2x1025xi32, #tpu.memory_space<smem>>
      %max3A = arith.maxsi %get3A_132, %get3A_135 : i32
      %le3A = arith.cmpi sle, %max3A, %mul3A_17 : i32
      %lt3A = arith.cmpi slt, %max3A, %mul3A_17 : i32
      %jit3A_136 = arith.constant true
      %select_n3A_137 = arith.select %jit3A_136, %le3A, %lt3A : i1
      %add3A_138 = arith.constant 1 : i32
      %add3A_139 = arith.addi %select_n3A_129, %add3A_138 : i32
      %select_n3A_140 = arith.select %select_n3A_137, %add3A_139, %scan3A_103 : i32
      %select_n3A_141 = arith.select %select_n3A_137, %scan3A_104, %select_n3A_129 : i32
      scf.yield %select_n3A_140, %select_n3A_141 : i32, i32
    }
    %sub3A = arith.constant 1 : i32
    %sub3A_28 = arith.subi %scan3A_27#0, %sub3A : i32
    %jit3A = arith.constant 8 : i32
    %div3A = arith.divsi %sub3A_28, %jit3A : i32
    %sign3A = arith.constant 0 : i32
    %sign3A_29 = arith.cmpi sgt, %sub3A_28, %sign3A : i32
    %sign3A_30 = arith.extui %sign3A_29 : i1 to i32
    %sign3A_31 = arith.constant 0 : i32
    %sign3A_32 = arith.cmpi slt, %sub3A_28, %sign3A_31 : i32
    %sign3A_33 = arith.extui %sign3A_32 : i1 to i32
    %sign3A_34 = arith.subi %sign3A_30, %sign3A_33 : i32
    %sign3A_35 = arith.constant 0 : i32
    %sign3A_36 = arith.cmpi sgt, %jit3A, %sign3A_35 : i32
    %sign3A_37 = arith.extui %sign3A_36 : i1 to i32
    %sign3A_38 = arith.constant 0 : i32
    %sign3A_39 = arith.cmpi slt, %jit3A, %sign3A_38 : i32
    %sign3A_40 = arith.extui %sign3A_39 : i1 to i32
    %sign3A_41 = arith.subi %sign3A_37, %sign3A_40 : i32
    %ne3A = arith.cmpi ne, %sign3A_34, %sign3A_41 : i32
    %rem3A = arith.remsi %sub3A_28, %jit3A : i32
    %ne3A_42 = arith.constant 0 : i32
    %ne3A_43 = arith.cmpi ne, %rem3A, %ne3A_42 : i32
    %and3A = arith.andi %ne3A, %ne3A_43 : i1
    %sub3A_44 = arith.constant 1 : i32
    %sub3A_45 = arith.subi %div3A, %sub3A_44 : i32
    %select_n3A = arith.select %and3A, %sub3A_45, %div3A : i32
    %mul3A_46 = arith.constant 8 : i32
    %mul3A_47 = arith.muli %select_n3A, %mul3A_46 : i32
    %scan3A_48 = arith.constant 0 : i32
    %scan3A_49 = arith.constant 1025 : i32
    %scan3A_50 = arith.constant 0 : i32
    %scan3A_51 = arith.constant 11 : i32
    %scan3A_52 = arith.addi %scan3A_50, %scan3A_51 : i32
    %scan3A_53 = arith.constant 1 : i32
    %scan3A_54:2 = scf.for %scan3A_102 = %scan3A_50 to %scan3A_52 step %scan3A_53 iter_args(%scan3A_103 = %scan3A_48, %scan3A_104 = %scan3A_49) -> (i32, i32)  : i32 {
      %add3A_105 = arith.addi %scan3A_103, %scan3A_104 : i32
      %jit3A_106 = arith.constant 2 : i32
      %div3A_107 = arith.divsi %add3A_105, %jit3A_106 : i32
      %sign3A_108 = arith.constant 0 : i32
      %sign3A_109 = arith.cmpi sgt, %add3A_105, %sign3A_108 : i32
      %sign3A_110 = arith.extui %sign3A_109 : i1 to i32
      %sign3A_111 = arith.constant 0 : i32
      %sign3A_112 = arith.cmpi slt, %add3A_105, %sign3A_111 : i32
      %sign3A_113 = arith.extui %sign3A_112 : i1 to i32
      %sign3A_114 = arith.subi %sign3A_110, %sign3A_113 : i32
      %sign3A_115 = arith.constant 0 : i32
      %sign3A_116 = arith.cmpi sgt, %jit3A_106, %sign3A_115 : i32
      %sign3A_117 = arith.extui %sign3A_116 : i1 to i32
      %sign3A_118 = arith.constant 0 : i32
      %sign3A_119 = arith.cmpi slt, %jit3A_106, %sign3A_118 : i32
      %sign3A_120 = arith.extui %sign3A_119 : i1 to i32
      %sign3A_121 = arith.subi %sign3A_117, %sign3A_120 : i32
      %ne3A_122 = arith.cmpi ne, %sign3A_114, %sign3A_121 : i32
      %rem3A_123 = arith.remsi %add3A_105, %jit3A_106 : i32
      %ne3A_124 = arith.constant 0 : i32
      %ne3A_125 = arith.cmpi ne, %rem3A_123, %ne3A_124 : i32
      %and3A_126 = arith.andi %ne3A_122, %ne3A_125 : i1
      %sub3A_127 = arith.constant 1 : i32
      %sub3A_128 = arith.subi %div3A_107, %sub3A_127 : i32
      %select_n3A_129 = arith.select %and3A_126, %sub3A_128, %div3A_107 : i32
      %get3A_130 = arith.constant 0 : index
      %get3A_131 = arith.index_cast %select_n3A_129 : i32 to index
      %get3A_132 = memref.load %arg1[%get3A_130, %get3A_131] : memref<2x1025xi32, #tpu.memory_space<smem>>
      %get3A_133 = arith.constant 1 : index
      %get3A_134 = arith.index_cast %select_n3A_129 : i32 to index
      %get3A_135 = memref.load %arg1[%get3A_133, %get3A_134] : memref<2x1025xi32, #tpu.memory_space<smem>>
      %max3A = arith.maxsi %get3A_132, %get3A_135 : i32
      %le3A = arith.cmpi sle, %max3A, %mul3A_21 : i32
      %lt3A = arith.cmpi slt, %max3A, %mul3A_21 : i32
      %jit3A_136 = arith.constant false
      %select_n3A_137 = arith.select %jit3A_136, %le3A, %lt3A : i1
      %add3A_138 = arith.constant 1 : i32
      %add3A_139 = arith.addi %select_n3A_129, %add3A_138 : i32
      %select_n3A_140 = arith.select %select_n3A_137, %add3A_139, %scan3A_103 : i32
      %select_n3A_141 = arith.select %select_n3A_137, %scan3A_104, %select_n3A_129 : i32
      scf.yield %select_n3A_140, %select_n3A_141 : i32, i32
    }
    %sub3A_55 = arith.subi %scan3A_54#0, %mul3A_47 : i32
    %add3A_56 = arith.constant 64 : i32
    %add3A_57 = arith.addi %sub3A_55, %add3A_56 : i32
    %sub3A_58 = arith.constant 1 : i32
    %sub3A_59 = arith.subi %add3A_57, %sub3A_58 : i32
    %jit3A_60 = arith.constant 64 : i32
    %div3A_61 = arith.divsi %sub3A_59, %jit3A_60 : i32
    %sign3A_62 = arith.constant 0 : i32
    %sign3A_63 = arith.cmpi sgt, %sub3A_59, %sign3A_62 : i32
    %sign3A_64 = arith.extui %sign3A_63 : i1 to i32
    %sign3A_65 = arith.constant 0 : i32
    %sign3A_66 = arith.cmpi slt, %sub3A_59, %sign3A_65 : i32
    %sign3A_67 = arith.extui %sign3A_66 : i1 to i32
    %sign3A_68 = arith.subi %sign3A_64, %sign3A_67 : i32
    %sign3A_69 = arith.constant 0 : i32
    %sign3A_70 = arith.cmpi sgt, %jit3A_60, %sign3A_69 : i32
    %sign3A_71 = arith.extui %sign3A_70 : i1 to i32
    %sign3A_72 = arith.constant 0 : i32
    %sign3A_73 = arith.cmpi slt, %jit3A_60, %sign3A_72 : i32
    %sign3A_74 = arith.extui %sign3A_73 : i1 to i32
    %sign3A_75 = arith.subi %sign3A_71, %sign3A_74 : i32
    %ne3A_76 = arith.cmpi ne, %sign3A_68, %sign3A_75 : i32
    %rem3A_77 = arith.remsi %sub3A_59, %jit3A_60 : i32
    %ne3A_78 = arith.constant 0 : i32
    %ne3A_79 = arith.cmpi ne, %rem3A_77, %ne3A_78 : i32
    %and3A_80 = arith.andi %ne3A_76, %ne3A_79 : i1
    %sub3A_81 = arith.constant 1 : i32
    %sub3A_82 = arith.subi %div3A_61, %sub3A_81 : i32
    %select_n3A_83 = arith.select %and3A_80, %sub3A_82, %div3A_61 : i32
    %iota3A = tpu.iota {dimensions = array<i32: 1>} : vector<64x5000xi32>
    %add3A_84 = vector.broadcast %mul3A_17 : i32 to vector<64x5000xi32>
    %add3A_85 = arith.addi %iota3A, %add3A_84 : vector<64x5000xi32>
    %while3A = arith.constant 0 : i32
    %while3A_86 = arith.constant 0 : i32
    %while3A_87 = arith.subi %select_n3A_83, %while3A : i32
    %while3A_88 = arith.addi %while3A, %while3A_87 : i32
    %while3A_89 = arith.constant 1 : i32
    %while3A_90 = arith.divsi %while3A_87, %while3A_89 : i32
    %while3A_91 = arith.muli %while3A_90, %while3A_89 : i32
    %while3A_92 = arith.addi %while3A, %while3A_91 : i32
    %while3A_93 = arith.constant 1 : i32
    %while3A_94 = scf.for %while3A_102 = %while3A to %while3A_92 step %while3A_93 iter_args(%while3A_103 = %while3A_86) -> (i32)  : i32 {
      %mul3A_104 = arith.constant 64 : i32
      %mul3A_105 = arith.muli %while3A_102, %mul3A_104 : i32
      %add3A_106 = arith.addi %mul3A_47, %mul3A_105 : i32
      %multiple_of3A = tpu.assume_multiple %add3A_106, 8 : i32
      %get3A_107 = arith.constant 0 : index
      %get3A_108 = arith.index_cast %multiple_of3A : i32 to index
      %get3A_109 = arith.constant 0 : index
      %get3A_110 = vector.load %arg2[%get3A_107, %get3A_108, %get3A_109] : memref<2x1097x1xi32, #tpu.memory_space<vmem>>, vector<1x72x1xi32>
      %get3A_111 = vector.shape_cast %get3A_110 : vector<1x72x1xi32> to vector<72x1xi32>
      %get3A_112 = arith.constant 1 : index
      %get3A_113 = arith.index_cast %multiple_of3A : i32 to index
      %get3A_114 = arith.constant 0 : index
      %get3A_115 = vector.load %arg2[%get3A_112, %get3A_113, %get3A_114] : memref<2x1097x1xi32, #tpu.memory_space<vmem>>, vector<1x72x1xi32>
      %get3A_116 = vector.shape_cast %get3A_115 : vector<1x72x1xi32> to vector<72x1xi32>
      %max3A = arith.maxsi %get3A_111, %get3A_116 : vector<72x1xi32>
      %slice3A = vector.extract_strided_slice %max3A {offsets = [0, 0], sizes = [64, 1], strides = [1, 1]} : vector<72x1xi32> to vector<64x1xi32>
      %slice3A_117 = vector.extract_strided_slice %max3A {offsets = [1, 0], sizes = [64, 1], strides = [1, 1]} : vector<72x1xi32> to vector<64x1xi32>
      %ge3A = vector.broadcast %slice3A : vector<64x1xi32> to vector<64x5000xi32>
      %ge3A_118 = arith.cmpi sge, %add3A_85, %ge3A : vector<64x5000xi32>
      %lt3A = vector.broadcast %slice3A_117 : vector<64x1xi32> to vector<64x5000xi32>
      %lt3A_119 = arith.cmpi slt, %add3A_85, %lt3A : vector<64x5000xi32>
      %and3A_120 = arith.andi %ge3A_118, %lt3A_119 : vector<64x5000xi1>
      %jit3A_121 = arith.constant 0.000000e+00 : f32
      %broadcast_in_dim3A = vector.shape_cast %logistic3A_16 : vector<1x5000xf32> to vector<1x5000xf32>
      %broadcast_in_dim3A_122 = vector.broadcast %broadcast_in_dim3A : vector<1x5000xf32> to vector<64x5000xf32>
      %broadcast_in_dim3A_123 = vector.broadcast %jit3A_121 : f32 to vector<64x5000xf32>
      %select_n3A_124 = arith.select %and3A_120, %broadcast_in_dim3A_122, %broadcast_in_dim3A_123 : vector<64x5000xi1>, vector<64x5000xf32>
      %get3A_125 = arith.index_cast %multiple_of3A : i32 to index
      %get3A_126 = arith.constant 0 : index
      %get3A_127 = vector.load %arg7[%get3A_125, %get3A_126] : memref<1088x512xf32, #tpu.memory_space<vmem>>, vector<64x512xf32>
      %dot_general3A_128 = arith.constant dense<0.000000e+00> : vector<64x512xf32>
      %dot_general3A_129 = tpu.matmul %select_n3A_124, %get3A_3, %dot_general3A_128 {dimension_numbers = #tpu.dot_dimension_numbers<[1], [0], [0], [1], [0, 0, 1, 1], [], []>, transpose_lhs_hint = false} : vector<64x5000xf32>, vector<5000x512xf32>, vector<64x512xf32> -> vector<64x512xf32>
      %add3A_130 = arith.addf %get3A_127, %dot_general3A_129 : vector<64x512xf32>
      %swap3A = arith.index_cast %multiple_of3A : i32 to index
      %swap3A_131 = arith.constant 0 : index
      %swap3A_132 = vector.load %arg7[%swap3A, %swap3A_131] : memref<1088x512xf32, #tpu.memory_space<vmem>>, vector<64x512xf32>
      tpu.vector_store %arg7[%swap3A, %swap3A_131], %add3A_130 {strides = array<i32>} : memref<1088x512xf32, #tpu.memory_space<vmem>>, vector<64x512xf32>,
      %while3A_133 = arith.constant 0 : i32
      scf.yield %while3A_133 : i32
    }
    %while3A_95 = arith.constant 1 : i32
    %while3A_96 = scf.for %while3A_102 = %while3A_92 to %while3A_88 step %while3A_95 iter_args(%while3A_103 = %while3A_94) -> (i32)  : i32 {
      %mul3A_104 = arith.constant 64 : i32
      %mul3A_105 = arith.muli %while3A_102, %mul3A_104 : i32
      %add3A_106 = arith.addi %mul3A_47, %mul3A_105 : i32
      %multiple_of3A = tpu.assume_multiple %add3A_106, 8 : i32
      %get3A_107 = arith.constant 0 : index
      %get3A_108 = arith.index_cast %multiple_of3A : i32 to index
      %get3A_109 = arith.constant 0 : index
      %get3A_110 = vector.load %arg2[%get3A_107, %get3A_108, %get3A_109] : memref<2x1097x1xi32, #tpu.memory_space<vmem>>, vector<1x72x1xi32>
      %get3A_111 = vector.shape_cast %get3A_110 : vector<1x72x1xi32> to vector<72x1xi32>
      %get3A_112 = arith.constant 1 : index
      %get3A_113 = arith.index_cast %multiple_of3A : i32 to index
      %get3A_114 = arith.constant 0 : index
      %get3A_115 = vector.load %arg2[%get3A_112, %get3A_113, %get3A_114] : memref<2x1097x1xi32, #tpu.memory_space<vmem>>, vector<1x72x1xi32>
      %get3A_116 = vector.shape_cast %get3A_115 : vector<1x72x1xi32> to vector<72x1xi32>
      %max3A = arith.maxsi %get3A_111, %get3A_116 : vector<72x1xi32>
      %slice3A = vector.extract_strided_slice %max3A {offsets = [0, 0], sizes = [64, 1], strides = [1, 1]} : vector<72x1xi32> to vector<64x1xi32>
      %slice3A_117 = vector.extract_strided_slice %max3A {offsets = [1, 0], sizes = [64, 1], strides = [1, 1]} : vector<72x1xi32> to vector<64x1xi32>
      %ge3A = vector.broadcast %slice3A : vector<64x1xi32> to vector<64x5000xi32>
      %ge3A_118 = arith.cmpi sge, %add3A_85, %ge3A : vector<64x5000xi32>
      %lt3A = vector.broadcast %slice3A_117 : vector<64x1xi32> to vector<64x5000xi32>
      %lt3A_119 = arith.cmpi slt, %add3A_85, %lt3A : vector<64x5000xi32>
      %and3A_120 = arith.andi %ge3A_118, %lt3A_119 : vector<64x5000xi1>
      %jit3A_121 = arith.constant 0.000000e+00 : f32
      %broadcast_in_dim3A = vector.shape_cast %logistic3A_16 : vector<1x5000xf32> to vector<1x5000xf32>
      %broadcast_in_dim3A_122 = vector.broadcast %broadcast_in_dim3A : vector<1x5000xf32> to vector<64x5000xf32>
      %broadcast_in_dim3A_123 = vector.broadcast %jit3A_121 : f32 to vector<64x5000xf32>
      %select_n3A_124 = arith.select %and3A_120, %broadcast_in_dim3A_122, %broadcast_in_dim3A_123 : vector<64x5000xi1>, vector<64x5000xf32>
      %get3A_125 = arith.index_cast %multiple_of3A : i32 to index
      %get3A_126 = arith.constant 0 : index
      %get3A_127 = vector.load %arg7[%get3A_125, %get3A_126] : memref<1088x512xf32, #tpu.memory_space<vmem>>, vector<64x512xf32>
      %dot_general3A_128 = arith.constant dense<0.000000e+00> : vector<64x512xf32>
      %dot_general3A_129 = tpu.matmul %select_n3A_124, %get3A_3, %dot_general3A_128 {dimension_numbers = #tpu.dot_dimension_numbers<[1], [0], [0], [1], [0, 0, 1, 1], [], []>, transpose_lhs_hint = false} : vector<64x5000xf32>, vector<5000x512xf32>, vector<64x512xf32> -> vector<64x512xf32>
      %add3A_130 = arith.addf %get3A_127, %dot_general3A_129 : vector<64x512xf32>
      %swap3A = arith.index_cast %multiple_of3A : i32 to index
      %swap3A_131 = arith.constant 0 : index
      %swap3A_132 = vector.load %arg7[%swap3A, %swap3A_131] : memref<1088x512xf32, #tpu.memory_space<vmem>>, vector<64x512xf32>
      tpu.vector_store %arg7[%swap3A, %swap3A_131], %add3A_130 {strides = array<i32>} : memref<1088x512xf32, #tpu.memory_space<vmem>>, vector<64x512xf32>,
      %while3A_133 = arith.constant 0 : i32
      scf.yield %while3A_133 : i32
    }
    %eq3A_97 = arith.constant 19 : i32
    %eq3A_98 = arith.cmpi eq, %arg0, %eq3A_97 : i32
    %convert_element_type3A_99 = arith.extui %eq3A_98 : i1 to i32
    %cond3A_100 = arith.constant 0 : i32
    %cond3A_101 = arith.cmpi ne, %convert_element_type3A_99, %cond3A_100 : i32
    scf.if %cond3A_101 {
      %get3A_102 = arith.constant 0 : index
      %get3A_103 = arith.constant 0 : index
      %get3A_104 = vector.load %arg7[%get3A_102, %get3A_103] : memref<1088x512xf32, #tpu.memory_space<vmem>>, vector<1024x512xf32>
      %swap3A = arith.constant 0 : index
      %swap3A_105 = arith.constant 0 : index
      %swap3A_106 = vector.load %arg6[%swap3A, %swap3A_105] : memref<1024x512xf32, #tpu.memory_space<vmem>>, vector<1024x512xf32>
      tpu.vector_store %arg6[%swap3A, %swap3A_105], %get3A_104 {strides = array<i32>} : memref<1024x512xf32, #tpu.memory_space<vmem>>, vector<1024x512xf32>,
    } else {
    }
    return
  }
  func.func @transform_0(%arg0: i32) -> (i32, i32) {
    %c0_i32 = arith.constant 0 : i32
    %c0_i32_0 = arith.constant 0 : i32
    %c0_i32_1 = arith.constant 0 : i32
    return %c0_i32, %c0_i32_0 : i32, i32
  }
  func.func @transform_1(%arg0: i32) -> (i32, i32, i32) {
    %c0_i32 = arith.constant 0 : i32
    %c0_i32_0 = arith.constant 0 : i32
    %c0_i32_1 = arith.constant 0 : i32
    %c0_i32_2 = arith.constant 0 : i32
    return %c0_i32, %c0_i32_0, %c0_i32_1 : i32, i32, i32
  }
  func.func @transform_2(%arg0: i32) -> (i32, i32) {
    %c0_i32 = arith.constant 0 : i32
    %c0_i32_0 = arith.constant 0 : i32
    return %arg0, %c0_i32 : i32, i32
  }
  func.func @transform_3(%arg0: i32) -> (i32, i32) {
    %c0_i32 = arith.constant 0 : i32
    %c0_i32_0 = arith.constant 0 : i32
    %c0_i32_1 = arith.constant 0 : i32
    return %c0_i32, %c0_i32_0 : i32, i32
  }
  func.func @transform_4(%arg0: i32) -> (i32, i32) {
    %c0_i32 = arith.constant 0 : i32
    %c0_i32_0 = arith.constant 0 : i32
    %c0_i32_1 = arith.constant 0 : i32
    return %c0_i32, %c0_i32_0 : i32, i32
  }
  func.func @transform_5(%arg0: i32) -> (i32, i32) {
    %c0_i32 = arith.constant 0 : i32
    %c0_i32_0 = arith.constant 0 : i32
    %c0_i32_1 = arith.constant 0 : i32
    return %c0_i32, %c0_i32_0 : i32, i32
  }
}

</mosaic_0001>

<sc_bundles>
// kernel: kernel.4.cloned.1.call-start
scs
__scs_entry_jumppad:
0x0: {  	(pc) =	sbr.rel $0x88, $3  }
0x1: {  	(tag) =	ssettag $0x0;
	lr =	simm.s32 $0x1  }
0x2: {  	[smem:$0x3F9D] =	sst lr;
	_ =	strace $0xD0000000  }
0x3: {  	_ = 	snop  }
0x4: {  	_ = 	snop  }
0x5: {  	_ = 	snop  }
0x6: {  	_ = 	snop  }
0x7: {  	_ = 	snop  }
__scs_overlays_trampoline_lowered:
0x8: {  	[smem:$0x3FAC] =	sst s0  }
0x9: {  	[smem:$0x3FAD] =	sst s1  }
0xa: {  	[smem:$0x3FAE] =	sst s2  }
0xb: {  	[smem:$0x3FAF] =	sst s3  }
0xc: {  	[smem:$0x3FB0] =	sst s4  }
0xd: {  	[smem:$0x3FB1] =	sst s5  }
0xe: {  	[smem:$0x3FB2] =	sst s6  }
0xf: {  	[smem:$0x3FB3] =	sst s7  }
0x10: {  	[smem:$0x3FB4] =	sst s8  }
0x11: {  	[smem:$0x3FB5] =	sst s9;
	s0 =	simm.s32 @!p0 $0x0  }
0x12: {  	s1 =	sld [smem:$0x3F9B];
	s0 =	simm.s32 @p0 $0x1  }
0x13: {  	[smem:$0x3FB6] =	sst s0;
	s0 =	simm.s32 @!p1 $0x0  }
0x14: {  	s2 =	sld [smem:$0x3F9A];
	s0 =	simm.s32 @p1 $0x1  }
0x15: {  	[smem:$0x3FB7] =	sst s0;
	s0 =	simm.s32 @!p2 $0x0  }
0x16: {  	s3 =	sld [smem:$0x3FDB];
	s0 =	simm.s32 @p2 $0x1  }
0x17: {  	s4 =	simm.s32 $0x1BF5;
	[smem:$0x3FB9] =	sst s0  }
0x18: {  	s0 =	sld [smem:$0x3F9C];
	_ =	swait.ge [sflag:s4], $0x0  }
0x19: {  	s7 =	sld [smem:$0x3F9D]  }
0x1a: {  	s8 =	sadd.s32 $0xFFFFE003, lr  }
0x1b: {  	s9 =	sadd.s32 $0xFFFFFEF7, lr;
	s5 =	simm.s32 $0xFFFFFFFF;
	p2 =	slt.u32 s8, $0xFFFFF086  }
0x1c: {  	p1 =	slt.u32 s9, $0xF7A;
	s5 =	simm.s32 @!p2 $0x0  }
0x1d: {  	s5 =	simm.s32 @p1 $0x1;
	p0 =	seq.s32 s7, s2  }
0x1e: {  	s7 =	smul.u32 @!p0 $0xF7A, s2;
	p2 =	seq.s32 @!p0 s5, $0x0  }
0x1f: {  	s9 =	smul.u32 $0xF7A, s1;
	s8 =	simm.s32 @!p0 $0x1BF5;
	p2 =	por !p2, p0  }
0x20: {  	[sflag:s8] =	ssyncset.s32 @!p0 $0xFFFFF086;
	s6 =	sadd.s32 @!p0 s3, s7;
	s7 =	simm.s32 @!p0 $0x108  }
0x21: {  	s3 =	sadd.s32 s3, s9;
	s6 =	sadd.s32 @!p0 $0x88, s6;
	s7 =	simm.s32 @p2 $0x1082  }
0x22: {  	[simem:s7], [sflag:s8] =	dma.local @!p0 [hbm:s6], $0xF7A  }
0x23: {  	s9 =	sor.u32 $0xD0000000, s2;
	s6 =	simm.s32 $0x108;
	_ =	swait.ge @!p0 [sflag:s8], $0x0  }
0x24: {  	s3 =	sadd.s32 $0x88, s3;
	s6 =	simm.s32 @!p1 $0x1082;
	[sflag:s4] =	ssyncset.s32 $0xFFFFF086  }
0x25: {  	[simem:s6], [sflag:s4] =	dma.local [hbm:s3], $0xF7A  }
0x26: {  	[smem:$0x3F9D] =	sst s1;
	(tag) =	ssettag s2;
	_ =	strace s9  }
0x27: {  	s1 =	sld [smem:$0x3FAD]  }
0x28: {  	s2 =	sld [smem:$0x3FAE]  }
0x29: {  	s4 =	sld [smem:$0x3FB0]  }
0x2a: {  	p0 =	seq.s32 s5, $0x0;
	s5 =	sld [smem:$0x3FB1]  }
0x2b: {  	s6 =	sld [smem:$0x3FB2]  }
0x2c: {  	s7 =	sld [smem:$0x3FB3]  }
0x2d: {  	s3 =	simm.s32 $0x108;
	s8 =	sld [smem:$0x3FB4]  }
0x2e: {  	s3 =	simm.s32 @!p0 $0x1082;
	s9 =	sld [smem:$0x3FB5]  }
0x2f: {  	lr =	sadd.s32 s0, s3;
	s0 =	sld [smem:$0x3FAC]  }
0x30: {  	s3 =	sld [smem:$0x3FAF]  }
0x31: {  	[smem:$0x3FB8] =	sst s10  }
0x32: {  	s10 =	sld [smem:$0x3FB6];
	_ =	sdelay $0x3  }
0x33: {  	p0 =	seq.s32 s10, $0x1;
	s10 =	sld [smem:$0x3FB8];
	_ =	sdelay $0x3  }
0x34: {  	[smem:$0x3FB8] =	sst s10  }
0x35: {  	s10 =	sld [smem:$0x3FB7];
	_ =	sdelay $0x3  }
0x36: {  	p1 =	seq.s32 s10, $0x1;
	s10 =	sld [smem:$0x3FB8];
	_ =	sdelay $0x3  }
0x37: {  	[smem:$0x3FB8] =	sst s10  }
0x38: {  	s10 =	sld [smem:$0x3FB9]  }
0x39: {  	_ = 	snop;
	(pc) =	sbr.ind lr, $3  }
0x3a: {  	_ = 	snop  }
0x3b: {  	_ = 	snop  }
0x3c: {  	p2 =	seq.s32 s10, $0x1;
	s10 =	sld [smem:$0x3FB8]  }
0x3d: {  	_ =	shalt  }
0x3e: {  	_ =	shalt  }
0x3f: {  	_ =	shalt  }
0x40: {  	_ =	shalt  }
0x41: {  	_ =	shalt  }
0x42: {  	_ =	shalt  }
0x43: {  	_ =	shalt  }
0x44: {  	_ =	shalt  }
0x45: {  	_ =	shalt  }
0x46: {  	_ =	shalt  }
0x47: {  	_ =	shalt  }
0x48: {  	_ =	shalt  }
0x49: {  	_ =	shalt  }
0x4a: {  	_ =	shalt  }
0x4b: {  	_ =	shalt  }
0x4c: {  	_ =	shalt  }
0x4d: {  	_ =	shalt  }
0x4e: {  	_ =	shalt  }
0x4f: {  	_ =	shalt  }
0x50: {  	_ =	shalt  }
0x51: {  	_ =	shalt  }
0x52: {  	_ =	shalt  }
0x53: {  	_ =	shalt  }
0x54: {  	_ =	shalt  }
0x55: {  	_ =	shalt  }
0x56: {  	_ =	shalt  }
0x57: {  	_ =	shalt  }
0x58: {  	_ =	shalt  }
0x59: {  	_ =	shalt  }
0x5a: {  	_ =	shalt  }
0x5b: {  	_ =	shalt  }
0x5c: {  	_ =	shalt  }
0x5d: {  	_ =	shalt  }
0x5e: {  	_ =	shalt  }
0x5f: {  	_ =	shalt  }
0x60: {  	_ =	shalt  }
0x61: {  	_ =	shalt  }
0x62: {  	_ =	shalt  }
0x63: {  	_ =	shalt  }
0x64: {  	_ =	shalt  }
0x65: {  	_ =	shalt  }
0x66: {  	_ =	shalt  }
0x67: {  	_ =	shalt  }
0x68: {  	_ =	shalt  }
0x69: {  	_ =	shalt  }
0x6a: {  	_ =	shalt  }
0x6b: {  	_ =	shalt  }
0x6c: {  	_ =	shalt  }
0x6d: {  	_ =	shalt  }
0x6e: {  	_ =	shalt  }
0x6f: {  	_ =	shalt  }
0x70: {  	_ =	shalt  }
0x71: {  	_ =	shalt  }
0x72: {  	_ =	shalt  }
0x73: {  	_ =	shalt  }
0x74: {  	_ =	shalt  }
0x75: {  	_ =	shalt  }
0x76: {  	_ =	shalt  }
0x77: {  	_ =	shalt  }
0x78: {  	_ =	shalt  }
0x79: {  	_ =	shalt  }
0x7a: {  	_ =	shalt  }
0x7b: {  	_ =	shalt  }
0x7c: {  	_ =	shalt  }
0x7d: {  	_ =	shalt  }
0x7e: {  	_ =	shalt  }
0x7f: {  	_ =	shalt  }
0x80: {  	_ =	shalt  }
0x81: {  	_ =	shalt  }
0x82: {  	_ =	shalt  }
0x83: {  	_ =	shalt  }
0x84: {  	_ =	shalt  }
0x85: {  	_ =	shalt  }
0x86: {  	_ =	shalt  }
0x87: {  	_ =	shalt  }
.Lfunc_end0:
.L_simem_size_0:
called_computation_lowered:
.L_overlay_start_0:
0x88: {  	s2 =	sld [smem:$0x3FD9]  }
0x89: {  	s3 =	sld [smem:$0x3FFE];
	_ =	sdelay $0x1  }
0x8a: {  	s1 =	srdreg.scid  }
0x8b: {  	s0 =	sand.u32 $0x1, s1  }
0x8c: {  	s18 =	sshll.u32 s0, $0xA;
	s2 =	sadd.s32 s3, s2  }
0x8d: {  	s2 =	sadd.s32 s2, s18  }
0x8e: {  	[smem:$0x3FC4] =	sst s2  }
0x8f: {  	_ = 	snop  }
0x90: {  	s2 =	sld [smem:$0x3FC8]  }
0x91: {  	s19 =	sld [smem:$0x3FD0];
	(tm) =	ssettm $0x1  }
0x92: {  	s4 =	sld [smem:$0x3FFB];
	_ =	sdelay $0x3  }
0x93: {  	_ =	strace s4  }
0x94: {  	s4 =	sld [smem:$0x3FFC];
	_ =	sdelay $0x3  }
0x95: {  	_ =	strace s4  }
0x96: {  	s4 =	sld [smem:$0x3FFD];
	_ =	sdelay $0x3  }
0x97: {  	_ =	strace s4  }
0x98: {  	_ =	strace $0x8FFFFFFF  }
0x99: {  	s20 =	sld [smem:$0x3FDB];
	_ =	sdelay $0x1  }
0x9a: {  	s5 =	simm.s32 $_scs_section_size  }
0x9b: {  	s6 =	simm.s32 $_size__tile_overlayer_lowered;
	s7 =	simm.s32 $_tile_overlayer_lowered  }
0x9c: {  	s23 =	simm.s32 $0x1BFF;
	s22 =	sshll.u32 s7, $0x1;
	s4 =	sadd.s32 s5, s20  }
0x9d: {  	s8 =	simm.s32 $0x0;
	s21 =	sshll.u32 s6, $0x1;
	s6 =	sadd.s32 s22, s4  }
0x9e: {  	[timem:s8], [sflag:s23] =	dma.local [hbm:s6], s21  }
0x9f: {  	_ =	swait.ge [sflag:s23], s21  }
0xa0: {  	s5 =	ssub.s32 $0x0, s21;
	[sflag:s23] =	ssyncset.done $0x0  }
0xa1: {  	[sflag:s23] =	ssyncadd.s32 s5;
	_ =	sdelay $0x1  }
0xa2: {  	s24 =	simm.s32 $0x1B8B  }
0xa3: {  	_ =	swait.ge [sflag:s24], $0x1  }
0xa4: {  	[sflag:s24] =	ssyncset.done $0x0  }
0xa5: {  	s25 =	simm.s32 $0x1B8E;
	[sflag:s24] =	ssyncadd.s32 $0xFFFFFFFF  }
0xa6: {  	s26 =	simm.s32 $execute0_lowered;
	[smem:$0x3FD2] =	sst s25  }
0xa7: {  	s5 =	sshll.u32 s26, $0x1;
	_ =	strace $0x80000046;
	[dreg:$0x1] =	wrdreg $0xFFFFFFFF  }
0xa8: {  	s28 =	simm.s32 $_size_execute0_lowered;
	s4 =	sadd.s32 s4, s5;
	[dreg:$0x0] =	wrdreg $0x0  }
0xa9: {  	s5 =	sshll.u32 s28, $0x1;
	[dreg:$0x2] =	wrdreg s4  }
0xaa: {  	[dreg:$0x3] =	wrdreg s5  }
0xab: {  	[dreg:$0x4] =	wrdreg $0xC0  }
0xac: {  	_ =	task [dreg:s8], $0x5FFFF  }
0xad: {  	[dreg:$0x1] =	wrdreg $0xFFFFFFFF  }
0xae: {  	[dreg:$0x0] =	wrdreg $0x60  }
0xaf: {  	[dreg:$0x2] =	wrdreg s2  }
0xb0: {  	[dreg:$0x3] =	wrdreg s19  }
0xb1: {  	[dreg:$0x4] =	wrdreg $0x54800  }
0xb2: {  	[dreg:$0x5] =	wrdreg $0x9  }
0xb3: {  	_ =	task.clear_ibuf [dreg:s8], $0x6FFFF;
	_ =	strace $0x90000046  }
0xb4: {  	s29 =	simm.s32 $0x9;
	_ =	strace $0x80000048  }
0xb5: {  	_ =	swait.ge [sflag:s29], $0x1  }
0xb6: {  	[sflag:s29] =	ssyncadd.s32 $0xFFFFFFFF  }
0xb7: {  	_ =	strace $0x90000048  }
0xb8: {  	_ =	sfence  }
0xb9: {  	s30 =	sld [smem:$0x0];
	_ =	sdelay $0x2  }
0xba: {  	s31 =	sshll.u32 s1, $0xD;
	s1 =	sshrl.u32 s1, $0x2  }
0xbb: {  	s3 =	sand.u32 $0x4000, s31;
	s1 =	sadd.s32 s1, s30  }
0xbc: {  	s0 =	sor.u32 s3, s0;
	s1 =	sshll.u32 s1, $0x11  }
0xbd: {  	s0 =	sor.u32 s1, s0  }
0xbe: {  	s0 =	sadd.s32 $0x8F2B, s0  }
0xbf: {  	[sflag:s0] =	ssyncadd.remote.s32 $0x1  }
0xc0: {  	_ =	sfence.sel $0xFFFF  }
0xc1: {  	[dreg:$0x0] =	wrdreg $0xFFFFFFFF;
	(pc) =	sbr.abs _section_cstart, $3  }
0xc2: {  	[dreg:$0x1] =	wrdreg $0xFFFFFFFF  }
0xc3: {  	_ =	task.clear_ibuf [dreg:s8], $0x2FFFF;
	_ =	strace $0x9FFFFFFF  }
0xc4: {  	(tm) =	ssettm $0x7FFFFFFF  }
0xc5: {  	_ =	shalt  }
tec
execute0_lowered:
.L_overlay_start_1:
0x0: {  	(tag) =	ssettag $0x1  }
0x1: {  	s4 =	rddreg [dreg:$0x0]  }
0x2: {  	s6 =	rddreg [dreg:$0x1]  }
0x3: {  	s0 =	srdreg.scid;
	s10 =	stileid.u32  }
0x4: {  	s1 =	rddreg [dreg:$0x2];
	s2 =	simm.s32 $0x0;
	s13 =	simm.s32 $0xBD8  }
0x5: {  	s15 =	simm.s32 $0x5080;
	s5 =	sand.u32 $0x1, s0;
	s0 =	rddreg [dreg:$0x3]  }
0x6: {  	s3 =	sshll.u32 s10, $0x1;
	[smem:$0x7FF] =	sst s2;
	s30 =	sshll.u32 s10, $0xA  }
0x7: {  	s31 =	sshll.u32 s10, $0x7;
	s11 =	smul.u32 $0x1870, s10;
	p1 =	sne.s32 s10, $0x0  }
0x8: {  	s10 =	simm.s32 $0x80;
	s3 =	sor.u32 s5, s3;
	s7 =	ssub.s32 $0x2, s5  }
0x9: {  	_ =	strace $0x80000047;
	s12 =	sshll.u32 s5, $0x4;
	s14 =	smul.u32 $0xC38, s5  }
0xa: {  	s8 =	smul.u32 $0xC38, s3;
	s9 =	sshrl.u32 s7, $0x1;
	p0 =	seq.s32 s3, $0x1F  }
0xb: {  	v2 =	vlaneseq.u32;
	s6 =	sadd.s32 s6, s12;
	s12 =	simm.s32 $0x1;
	s7 =	ssub.s32 s7, s9  }
.Ltmp0:
0xc: {  	v0 =	vmul.u32 $0xFFFFFFFF, v2;
	s13 =	simm.s32 @!p0 $0xC38;
	s9 =	sand.u32 $0x380, s31;
	(pc) =	sbr.rel .LBB2_1-.Ltmp0, $4  }
0xd: {  	s29 =	sshrl.u32 s8, $0x3;
	s8 =	sand.u32 $0x2000, s30;
	s7 =	smax.u32 s7, $0x1  }
0xe: {  	v0 =	vadd.s32 s13, v0;
	s13 =	simm.s32 $0x1080;
	s3 =	sadd.s32 s4, s29;
	s8 =	sadd.s32 s8, s1  }
0xf: {  	s4 =	sadd.s32 $0x2F59, s4;
	s5 =	sadd.s32 s9, s8;
	s8 =	sadd.s32 s14, s11  }
0x10: {  	v1 =	vimm.s32 $0x0;
	v2 =	vadd.s32 $0x1, v2;
	s9 =	simm.s32 $0xC80;
	s11 =	simm.s32 $0x400;
	s14 =	simm.s32 $0x100  }
.LBB2_10:
0x11: {  	v3 =	vld [tilespmem:s17+$0x5080];
	_ =	sdelay $0x1  }
0x12: {  	s16 =	spop (v2sf)  }
0x13: {  	s16 =	sxor.u32 $0x80000000, s16  }
0x14: {  	v4 =	vmov s16  }
0x15: {  	vm0 =	vgt.s32 v3, v4  }
0x16: {  	v3 =	vsel vm0, v3, v4  }
0x17: {  	v3 =	vxor.u32 $0x80000000, v3  }
0x18: {  	(xrf0) =	vmax.scan.msk.u32 $0xffff, v3;
	_ =	sdelay $0x5  }
0x19: {  	v3, _, _ =	vpop (xrf0)  }
0x1a: {  	(xrf0) =	vmax.scan.msk.u32 $0xffff, v3;
	_ =	sdelay $0x5  }
0x1b: {  	v63, _, _ =	vpop (xrf0)  }
0x1c: {  	(v2sf) =	vpush v63, $0xF;
	_ =	sdelay $0xb  }
0x1d: {  	v3 =	vxor.u32 $0x80000000, v3  }
0x1e: {  	[tilespmem:s17+$0x5080] =	vst v3  }
0x1f: {  	[hbm4b:s6+s10] =	stream.strided.scatter [tilespmem:s15], [sflag:$0x1], $0x400, s14, s10, $0x38;
	[tilespmem:$0x5880] =	vst v63  }
0x20: {  	s31 =	spop (v2sf)  }
0x21: {  	_ =	swait.ge [sflag:s12], $0x400  }
0x22: {  	[sflag:s12] =	ssyncset.done $0x0  }
0x23: {  	[sflag:s12] =	ssyncadd.s32 $0xFFFFFC00  }
.LBB2_11:
0x24: {  	s2 =	sadd.s32 $0x1, s2  }
0x25: {  	p2 =	sne.s32 s2, s7  }
.Ltmp1:
0x26: {  	_ = 	snop;
	(pc) =	sbr.rel @!p2 .LBB2_12-.Ltmp1, $1  }
0x27: {  	_ =	sdelay $0x3  }
.LBB2_1:
0x28: {  	s16 =	simm.s32 @p0 $0x0  }
0x29: {  	[tilespmem:s16], [sflag:$0x1] =	stream.linear.gather @p0 [hbm4b:s4+s16], $0xBD8, $0x38;
	[tilespmem:$0x5880] =	vst v63  }
0x2a: {  	s16 =	simm.s32 @p0 $0x1  }
0x2b: {  	_ =	swait.ge @p0 [sflag:s16], $0xBD8  }
0x2c: {  	[sflag:s16] =	ssyncset.done @p0 $0x0  }
0x2d: {  	[sflag:s16] =	ssyncadd.s32 @p0 $0xFFFFF428  }
0x2e: {  	v3 =	vld @p0 [tilespmem:$0xBD0];
	_ =	sdelay $0x2  }
0x2f: {  	v4 =	vlaneseq.u32 @p0  }
0x30: {  	vm0 =	veq.s32 @p0 v4, $0x8  }
0x31: {  	v3 =	vsel @p0 vm0, $0x40000000, v3  }
0x32: {  	s16 =	simm.s32 @!p0 $0x0;
	[tilespmem:$0xBD0] =	vst @p0 v3  }
0x33: {  	[tilespmem:s16], [sflag:$0x1] =	stream.linear.gather @!p0 [hbm4b:s3+s16], $0xC40, $0x38;
	[tilespmem:$0x5880] =	vst v63  }
0x34: {  	s16 =	simm.s32 @!p0 $0x1  }
0x35: {  	_ =	swait.ge @!p0 [sflag:s16], $0xC40  }
0x36: {  	[sflag:s16] =	ssyncset.done @!p0 $0x0  }
0x37: {  	[sflag:s16] =	ssyncadd.s32 @!p0 $0xFFFFF3C0;
	s16 =	simm.s32 $0x0  }
.LBB2_2:
0x38: {  	p2 =	sne.s32 s16, $0xFC0  }
.Ltmp2:
0x39: {  	_ = 	snop;
	(pc) =	sbr.rel @p2 .LBB2_2-.Ltmp2, $3  }
0x3a: {  	_ =	sdelay $0x1  }
0x3b: {  	s17 =	sshra.s32 s16, $0x2  }
0x3c: {  	s16 =	sadd.s32 $0x40, s16;
	[tilespmem:s17+$0xC80] =	vst v1  }
0x3d: {  	s17 =	simm.s32 $0x1  }
0x3e: {  	v4 =	vld [tilespmem:s17+$0x0]  }
0x3f: {  	s16 =	simm.s32 $0x0;
	s18 =	simm.s32 $0x10;
	v3 =	vld [tilespmem:s17+$0xFFFFFFFF]  }
.LBB2_4:
0x40: {  	p2 =	sne.s32 s18, $0xC30;
	_ =	sdelay $0x2  }
0x41: {  	v5 =	vmov s16  }
0x42: {  	vm0 =	vlt.u32 v5, v0;
	vm1 =	vne.s32 v3, v4  }
0x43: {  	vm0 =	vmand vm0, vm1;
	_ =	sdelay $0x3  }
.Ltmp3:
0x44: {  	s19 =	sadd.s32 s16, s8;
	s16 =	smov.u32 s18;
	(pc) =	sbr.rel @p2 .LBB2_4-.Ltmp3, $4  }
0x45: {  	v4 =	vadd.s32 s19, v2  }
0x46: {  	s17 =	sadd.s32 $0x10, s17;
	[tilespmem:v3+s9+$0x0] =	vst.idx.msk vm0, v4  }
0x47: {  	v4 =	vld [tilespmem:s17+$0x0]  }
0x48: {  	s18 =	sadd.s32 $0x10, s18;
	v3 =	vld [tilespmem:s17+$0xFFFFFFFF]  }
0x49: {  	_ =	sdelay $0x2  }
0x4a: {  	v5 =	vmov s16  }
0x4b: {  	vm0 =	vlt.u32 v5, v0;
	vm1 =	vne.s32 v3, v4  }
0x4c: {  	vm0 =	vmand vm0, vm1;
	_ =	sdelay $0x3  }
0x4d: {  	s31 =	sadd.s32 s16, s8  }
0x4e: {  	v63 =	vadd.s32 s31, v2  }
0x4f: {  	[tilespmem:v3+s9+$0x0] =	vst.idx.msk vm0, v63  }
0x50: {  	[spmem:s5] =	stream.strided.scatter [tilespmem:s9], [sflag:$0x1], $0x400, s11, s10, $0x38;
	[tilespmem:$0x5880] =	vst v63  }
.Ltmp4:
0x51: {  	_ =	swait.ge [sflag:s12], $0x400;
	(pc) =	sbr.rel @p1 .LBB2_11-.Ltmp4, $3  }
0x52: {  	[sflag:s12] =	ssyncset.done $0x0  }
0x53: {  	[sflag:s12] =	ssyncadd.s32 $0xFFFFFC00  }
0x54: {  	[bflag:$0x0] =	sbarrier.arrive $0xFFFF;
	_ =	sdelay $0x1  }
0x55: {  	[tilespmem:s13], [sflag:$0x1] =	stream.linear.gather [spmem:s1], $0x4000, $0x38;
	[tilespmem:$0x5880] =	vst v63  }
0x56: {  	s16 =	simm.s32 $0x0;
	_ =	swait.ge [sflag:s12], $0x4000  }
0x57: {  	s17 =	sand.u32 $0x70, s16;
	s16 =	sand.u32 $0x1C00, s16;
	[sflag:s12] =	ssyncset.done $0x0  }
0x58: {  	s16 =	sor.u32 s17, s16;
	[sflag:s12] =	ssyncadd.s32 $0xFFFFC000  }
0x59: {  	v3 =	vld [tilespmem:s16+$0x1100]  }
0x5a: {  	v4 =	vld [tilespmem:s16+$0x1080];
	_ =	sdelay $0x1  }
0x5b: {  	v5 =	vld [tilespmem:s16+$0x1180];
	_ =	sdelay $0x1  }
0x5c: {  	v6 =	vld [tilespmem:s16+$0x1200]  }
0x5d: {  	vm0 =	vgt.s32 v4, v3  }
0x5e: {  	v52 =	vld [tilespmem:s16+$0x1280];
	v3 =	vsel vm0, v4, v3  }
0x5f: {  	vm0 =	vgt.s32 v3, v5  }
0x60: {  	v53 =	vld [tilespmem:s16+$0x1300];
	v3 =	vsel vm0, v3, v5  }
0x61: {  	vm0 =	vgt.s32 v3, v6  }
0x62: {  	v54 =	vld [tilespmem:s16+$0x1380];
	v3 =	vsel vm0, v3, v6  }
0x63: {  	vm0 =	vgt.s32 v3, v52  }
0x64: {  	v55 =	vld [tilespmem:s16+$0x1400];
	v3 =	vsel vm0, v3, v52  }
0x65: {  	vm0 =	vgt.s32 v3, v53  }
0x66: {  	v56 =	vld [tilespmem:s16+$0x3080];
	v3 =	vsel vm0, v3, v53  }
0x67: {  	vm0 =	vgt.s32 v3, v54  }
0x68: {  	v57 =	vld [tilespmem:s16+$0x3100];
	v3 =	vsel vm0, v3, v54  }
0x69: {  	vm0 =	vgt.s32 v3, v55  }
0x6a: {  	v58 =	vld [tilespmem:s16+$0x3180];
	v3 =	vsel vm0, v3, v55  }
0x6b: {  	vm0 =	vgt.s32 v3, v56  }
0x6c: {  	v59 =	vld [tilespmem:s16+$0x3200];
	v3 =	vsel vm0, v3, v56  }
0x6d: {  	vm0 =	vgt.s32 v3, v57  }
0x6e: {  	v60 =	vld [tilespmem:s16+$0x3280];
	v3 =	vsel vm0, v3, v57  }
0x6f: {  	vm0 =	vgt.s32 v3, v58  }
0x70: {  	v61 =	vld [tilespmem:s16+$0x3300];
	v3 =	vsel vm0, v3, v58  }
0x71: {  	vm0 =	vgt.s32 v3, v59  }
0x72: {  	v62 =	vld [tilespmem:s16+$0x3380];
	v3 =	vsel vm0, v3, v59  }
0x73: {  	vm0 =	vgt.s32 v3, v60  }
0x74: {  	v63 =	vld [tilespmem:s16+$0x3400];
	v3 =	vsel vm0, v3, v60  }
0x75: {  	vm0 =	vgt.s32 v3, v61  }
0x76: {  	v3 =	vsel vm0, v3, v61  }
0x77: {  	vm0 =	vgt.s32 v3, v62  }
0x78: {  	v3 =	vsel vm0, v3, v62  }
0x79: {  	s31 =	simm.s32 $0x10;
	s18 =	simm.s32 $0x80;
	vm0 =	vgt.s32 v3, v63  }
0x7a: {  	s19 =	sand.u32 $0x1C00, s18;
	s17 =	sand.u32 $0x70, s31;
	s16 =	simm.s32 $0x5080;
	v3 =	vsel vm0, v3, v63  }
0x7b: {  	s17 =	sor.u32 s17, s19;
	s19 =	simm.s32 $0x20;
	[tilespmem:s16+$0x0] =	vst v3  }
.LBB2_7:
0x7c: {  	p2 =	sne.s32 s19, $0x3F0;
	v3 =	vld [tilespmem:s17+$0x1100]  }
0x7d: {  	v4 =	vld [tilespmem:s17+$0x1080];
	_ =	sdelay $0x1  }
0x7e: {  	v5 =	vld [tilespmem:s17+$0x1180];
	_ =	sdelay $0x1  }
0x7f: {  	v6 =	vld [tilespmem:s17+$0x1200]  }
0x80: {  	vm0 =	vgt.s32 v4, v3  }
0x81: {  	v3 =	vsel vm0, v4, v3;
	v4 =	vld [tilespmem:s17+$0x1280]  }
0x82: {  	vm0 =	vgt.s32 v3, v5  }
0x83: {  	v3 =	vsel vm0, v3, v5;
	v5 =	vld [tilespmem:s17+$0x1300]  }
0x84: {  	vm0 =	vgt.s32 v3, v6  }
0x85: {  	v3 =	vsel vm0, v3, v6;
	v6 =	vld [tilespmem:s17+$0x1380]  }
0x86: {  	vm0 =	vgt.s32 v3, v4  }
0x87: {  	v3 =	vsel vm0, v3, v4;
	v4 =	vld [tilespmem:s17+$0x1400]  }
0x88: {  	vm0 =	vgt.s32 v3, v5  }
0x89: {  	v3 =	vsel vm0, v3, v5;
	v5 =	vld [tilespmem:s17+$0x3080]  }
0x8a: {  	vm0 =	vgt.s32 v3, v6  }
0x8b: {  	v3 =	vsel vm0, v3, v6;
	v6 =	vld [tilespmem:s17+$0x3100]  }
0x8c: {  	vm0 =	vgt.s32 v3, v4  }
0x8d: {  	v3 =	vsel vm0, v3, v4;
	v4 =	vld [tilespmem:s17+$0x3180]  }
0x8e: {  	vm0 =	vgt.s32 v3, v5  }
0x8f: {  	v3 =	vsel vm0, v3, v5;
	v5 =	vld [tilespmem:s17+$0x3200]  }
0x90: {  	vm0 =	vgt.s32 v3, v6  }
0x91: {  	v3 =	vsel vm0, v3, v6;
	v6 =	vld [tilespmem:s17+$0x3280]  }
0x92: {  	vm0 =	vgt.s32 v3, v4  }
0x93: {  	v3 =	vsel vm0, v3, v4;
	v4 =	vld [tilespmem:s17+$0x3300]  }
0x94: {  	vm0 =	vgt.s32 v3, v5  }
0x95: {  	v3 =	vsel vm0, v3, v5;
	v5 =	vld [tilespmem:s17+$0x3380]  }
0x96: {  	vm0 =	vgt.s32 v3, v6  }
0x97: {  	v3 =	vsel vm0, v3, v6;
	v6 =	vld [tilespmem:s17+$0x3400]  }
0x98: {  	vm0 =	vgt.s32 v3, v4  }
0x99: {  	v3 =	vsel vm0, v3, v4  }
.Ltmp5:
0x9a: {  	vm0 =	vgt.s32 v3, v5;
	(pc) =	sbr.rel @p2 .LBB2_7-.Ltmp5, $4  }
0x9b: {  	v3 =	vsel vm0, v3, v5  }
0x9c: {  	s18 =	sadd.s32 $0x80, s18;
	vm0 =	vgt.s32 v3, v6  }
0x9d: {  	s16 =	sadd.s32 $0x10, s16;
	s20 =	sand.u32 $0x1C00, s18;
	s17 =	sand.u32 $0x70, s19;
	v3 =	vsel vm0, v3, v6  }
0x9e: {  	s19 =	sadd.s32 $0x10, s19;
	s17 =	sor.u32 s17, s20;
	[tilespmem:s16+$0x0] =	vst v3  }
0x9f: {  	v3 =	vld [tilespmem:s17+$0x1100]  }
0xa0: {  	v4 =	vld [tilespmem:s17+$0x1080];
	_ =	sdelay $0x1  }
0xa1: {  	v5 =	vld [tilespmem:s17+$0x1180];
	_ =	sdelay $0x1  }
0xa2: {  	v6 =	vld [tilespmem:s17+$0x1200]  }
0xa3: {  	vm0 =	vgt.s32 v4, v3  }
0xa4: {  	v50 =	vld [tilespmem:s17+$0x1280];
	v3 =	vsel vm0, v4, v3  }
0xa5: {  	vm0 =	vgt.s32 v3, v5  }
0xa6: {  	v51 =	vld [tilespmem:s17+$0x1300];
	v3 =	vsel vm0, v3, v5  }
0xa7: {  	vm0 =	vgt.s32 v3, v6  }
0xa8: {  	v52 =	vld [tilespmem:s17+$0x1380];
	v3 =	vsel vm0, v3, v6  }
0xa9: {  	vm0 =	vgt.s32 v3, v50  }
0xaa: {  	v53 =	vld [tilespmem:s17+$0x1400];
	v3 =	vsel vm0, v3, v50  }
0xab: {  	vm0 =	vgt.s32 v3, v51  }
0xac: {  	v54 =	vld [tilespmem:s17+$0x3080];
	v3 =	vsel vm0, v3, v51  }
0xad: {  	vm0 =	vgt.s32 v3, v52  }
0xae: {  	v55 =	vld [tilespmem:s17+$0x3100];
	v3 =	vsel vm0, v3, v52  }
0xaf: {  	vm0 =	vgt.s32 v3, v53  }
0xb0: {  	v56 =	vld [tilespmem:s17+$0x3180];
	v3 =	vsel vm0, v3, v53  }
0xb1: {  	vm0 =	vgt.s32 v3, v54  }
0xb2: {  	v57 =	vld [tilespmem:s17+$0x3200];
	v3 =	vsel vm0, v3, v54  }
0xb3: {  	vm0 =	vgt.s32 v3, v55  }
0xb4: {  	v58 =	vld [tilespmem:s17+$0x3280];
	v3 =	vsel vm0, v3, v55  }
0xb5: {  	vm0 =	vgt.s32 v3, v56  }
0xb6: {  	v59 =	vld [tilespmem:s17+$0x3300];
	v3 =	vsel vm0, v3, v56  }
0xb7: {  	vm0 =	vgt.s32 v3, v57  }
0xb8: {  	v60 =	vld [tilespmem:s17+$0x3380];
	v3 =	vsel vm0, v3, v57  }
0xb9: {  	vm0 =	vgt.s32 v3, v58  }
0xba: {  	v61 =	vld [tilespmem:s17+$0x3400];
	v3 =	vsel vm0, v3, v58  }
0xbb: {  	vm0 =	vgt.s32 v3, v59  }
0xbc: {  	v3 =	vsel vm0, v3, v59  }
0xbd: {  	vm0 =	vgt.s32 v3, v60  }
0xbe: {  	v3 =	vsel vm0, v3, v60  }
0xbf: {  	vm0 =	vgt.s32 v3, v61  }
0xc0: {  	s16 =	sadd.s32 $0x10, s16;
	v3 =	vsel vm0, v3, v61  }
0xc1: {  	s31 =	simm.s32 $0x0;
	[tilespmem:s16+$0x0] =	vst v3  }
0xc2: {  	v3 =	vld [tilespmem:s31+$0x5080];
	_ =	sdelay $0x3  }
0xc3: {  	v62 =	vimm.s32 $0x0  }
0xc4: {  	vm15 =	vgt.s32 v3, v62  }
0xc5: {  	v3 =	vsel vm15, v3, v62  }
0xc6: {  	v3 =	vxor.u32 $0x80000000, v3  }
0xc7: {  	(xrf0) =	vmax.scan.msk.u32 $0xffff, v3;
	_ =	sdelay $0x5  }
0xc8: {  	v3, _, _ =	vpop (xrf0)  }
0xc9: {  	(xrf0) =	vmax.scan.msk.u32 $0xffff, v3;
	_ =	sdelay $0x5  }
0xca: {  	v63, _, _ =	vpop (xrf0)  }
0xcb: {  	(v2sf) =	vpush v63, $0xF;
	_ =	sdelay $0xa  }
0xcc: {  	v3 =	vxor.u32 $0x80000000, v3  }
0xcd: {  	s17 =	simm.s32 $0x10;
	s16 =	simm.s32 $0x80;
	[tilespmem:s31+$0x5080] =	vst v3  }
.LBB2_9:
0xce: {  	p2 =	sne.s32 s16, $0xFC0;
	v3 =	vld [tilespmem:s17+$0x5080];
	_ =	sdelay $0x1  }
0xcf: {  	s18 =	spop (v2sf)  }
0xd0: {  	s18 =	sxor.u32 $0x80000000, s18  }
0xd1: {  	v4 =	vmov s18  }
0xd2: {  	vm0 =	vgt.s32 v3, v4  }
0xd3: {  	v3 =	vsel vm0, v3, v4  }
0xd4: {  	v3 =	vxor.u32 $0x80000000, v3  }
0xd5: {  	(xrf0) =	vmax.scan.msk.u32 $0xffff, v3;
	_ =	sdelay $0x5  }
0xd6: {  	v3, _, _ =	vpop (xrf0)  }
0xd7: {  	v4 =	vxor.u32 $0x80000000, v3;
	(xrf0) =	vmax.scan.msk.u32 $0xffff, v3  }
0xd8: {  	[tilespmem:s17+$0x5080] =	vst v4;
	_ =	sdelay $0x4  }
0xd9: {  	v3, _, _ =	vpop (xrf0)  }
0xda: {  	(v2sf) =	vpush v3, $0xF;
	_ =	sdelay $0x7  }
.Ltmp6:
0xdb: {  	(pc) =	sbr.rel @p2 .LBB2_9-.Ltmp6, $2  }
0xdc: {  	_ =	sdelay $0x2  }
0xdd: {  	s17 =	sshra.s32 s16, $0x2;
	s16 =	sadd.s32 $0x40, s16  }
.Ltmp7:
0xde: {  	_ = 	snop;
	(pc) =	sbr.rel .LBB2_10-.Ltmp7, $1  }
0xdf: {  	_ =	sdelay $0x3  }
.LBB2_12:
0xe0: {  	_ =	sfence.sel $0x180000  }
0xe1: {  	[bflag:$0x0] =	sbarrier.arrive $0xFFFF  }
0xe2: {  	_ =	strace $0x90000047  }
0xe3: {  	s0 =	sadd.s32 @!p1 $0x100000, s0;
	[bflag:$0x2] =	sbarrier.arrive $0xFFFF  }
0xe4: {  	[sflag:s0] =	ssyncadd.tile.s32 @!p1 $0x1;
	_ =	shalt  }
.Lfunc_end2:
_tile_overlayer_lowered:
.L_overlay_start_2:
0xe5: {  	(tag) =	ssettag $0x2  }
0xe6: {  	s0 =	rddreg [dreg:$0x0];
	s2 =	stileid.u32  }
0xe7: {  	s1 =	rddreg [dreg:$0x1];
	p0 =	sne.s32 s2, $0x0  }
0xe8: {  	s3 =	rddreg [dreg:$0x2];
	[bflag:$0x3] =	sbarrier.arrive $0xFFFF;
	s2 =	simm.s32 @!p0 $0x1C01  }
0xe9: {  	[timem:s3], [sflag:s2] =	dma.local @!p0 [hbm:s0], s1  }
0xea: {  	s0 =	simm.s32 @!p0 $0x1  }
0xeb: {  	_ =	swait.ge @!p0 [sflag:s0], s1  }
0xec: {  	s1 =	ssub.s32 @!p0 $0x0, s1;
	[sflag:s0] =	ssyncset.done @!p0 $0x0  }
0xed: {  	[sflag:s0] =	ssyncadd.s32 @!p0 s1  }
0xee: {  	[bflag:$0x3] =	sbarrier.arrive $0xFFFF  }
0xef: {  	_ =	shalt  }

</sc_bundles>
